<compile_context>
chip_gen: v7x
topology: tpu7x:2x2x1
jax: 0.10.2.dev20260603
libtpu: 0.0.44.dev20260713+nightly
codegen_flags: <defaults>
</compile_context>

<pallas_src>
import functools

import numpy as np

import jax
import jax.numpy as jnp
from jax import lax
from jax.experimental import pallas as pl
from jax.experimental.pallas import tpu as pltpu
from jax.experimental.pallas import tpu_sc as plsc

_NC = 2
_NS = 16
_CA = 128
_CC = 200


def _sc_mesh():
    return plsc.VectorSubcoreMesh(
        core_axis_name="c", subcore_axis_name="s",
        num_cores=_NC, num_subcores=_NS)


_SC_PARAMS = pltpu.CompilerParams(use_tc_tiling_on_sc=False)


def _sc_degrees(ei, maskp, n_pad, sl):
    nw2, nch, cc = ei.shape
    nw = nw2 // 2

    @functools.partial(
        pl.kernel,
        out_type=jax.ShapeDtypeStruct((_NC * 2 * n_pad,), jnp.float32),
        mesh=_sc_mesh(),
        compiler_params=_SC_PARAMS,
        scratch_types=[
            pltpu.VMEM((nch, cc), jnp.int32),
            pltpu.VMEM((nch, cc), jnp.int32),
            pltpu.VMEM((nch, cc), jnp.float32),
            pltpu.VMEM((sl,), jnp.float32),
            pltpu.VMEM_SHARED((n_pad,), jnp.float32),
            pltpu.VMEM_SHARED((n_pad,), jnp.float32),
            pltpu.SemaphoreType.DMA,
        ],
    )
    def deg_kernel(ei_hbm, maskp_hbm, out_hbm,
                   idx_s, idx_d, val_v, stage_v, dego_sh, degi_sh, sem):
        c = lax.axis_index("c")
        s = lax.axis_index("s")
        w = c * _NS + s
        off = s * sl

        def zbody(k, carry):
            stage_v[pl.ds(k * 16, 16)] = jnp.zeros((16,), jnp.float32)
            return carry
        lax.fori_loop(0, sl // 16, zbody, 0)
        pltpu.sync_copy(stage_v, dego_sh.at[pl.ds(off, sl)])
        pltpu.sync_copy(stage_v, degi_sh.at[pl.ds(off, sl)])
        pltpu.sync_copy(maskp_hbm.at[w], val_v)
        pltpu.sync_copy(ei_hbm.at[w], idx_s)
        pltpu.sync_copy(ei_hbm.at[nw + w], idx_d)
        plsc.subcore_barrier()

        def fire(j, carry):
            pltpu.async_copy(val_v.at[j], dego_sh.at[idx_s.at[j]], sem,
                             add=True)
            pltpu.async_copy(val_v.at[j], degi_sh.at[idx_d.at[j]], sem,
                             add=True)
            return carry
        lax.fori_loop(0, nch, fire, 0)

        def drain(j, carry):
            pltpu.make_async_copy(
                val_v.at[0], dego_sh.at[idx_s.at[0]], sem).wait()
            pltpu.make_async_copy(
                val_v.at[0], degi_sh.at[idx_d.at[0]], sem).wait()
            return carry
        lax.fori_loop(0, nch, drain, 0)

        plsc.subcore_barrier()
        pltpu.sync_copy(dego_sh.at[pl.ds(off, sl)], stage_v)
        pltpu.sync_copy(stage_v, out_hbm.at[pl.ds(c * 2 * n_pad + off, sl)])
        pltpu.sync_copy(degi_sh.at[pl.ds(off, sl)], stage_v)
        pltpu.sync_copy(
            stage_v, out_hbm.at[pl.ds((c * 2 + 1) * n_pad + off, sl)])

    return deg_kernel(ei, maskp)


def _sc_aggregate(ei, hw, zrow, n_pad, sl, dh):
    nw2, nch, cc = ei.shape
    nw = nw2 // 2
    wl = hw.shape[1]

    @functools.partial(
        pl.kernel,
        out_type=[jax.ShapeDtypeStruct((n_pad, wl), jnp.float32),
                  jax.ShapeDtypeStruct((n_pad, wl), jnp.float32)],
        mesh=_sc_mesh(),
        compiler_params=_SC_PARAMS,
        scratch_types=[
            pltpu.VMEM((nch, cc), jnp.int32),
            pltpu.VMEM((nch, cc), jnp.int32),
            pltpu.VMEM((cc, dh), jnp.float32),
            pltpu.VMEM((cc, dh), jnp.float32),
            pltpu.VMEM_SHARED((n_pad, dh), jnp.float32),
            pltpu.VMEM_SHARED((n_pad, dh), jnp.float32),
            pltpu.SemaphoreType.DMA,
            pltpu.SemaphoreType.DMA,
            pltpu.SemaphoreType.DMA,
            pltpu.SemaphoreType.DMA,
        ],
    )
    def agg_kernel(ei_hbm, hw_hbm, z_hbm, out0_hbm, out1_hbm,
                   src_v, dst_v, buf_a, buf_b, tab_sh, agg_sh,
                   sem_ga, sem_gb, sem_sa, sem_sb):
        c = lax.axis_index("c")
        s = lax.axis_index("s")
        w = c * _NS + s
        off = s * sl

        pltpu.sync_copy(ei_hbm.at[w], src_v)
        pltpu.sync_copy(ei_hbm.at[nw + w], dst_v)
        pltpu.sync_copy(z_hbm, agg_sh.at[pl.ds(off, sl)])
        pltpu.sync_copy(hw_hbm.at[pl.ds(off, sl), pl.ds(0, dh)],
                        tab_sh.at[pl.ds(off, sl)])
        plsc.subcore_barrier()

        def fire_g(j, buf, sem):
            pltpu.async_copy(tab_sh.at[src_v.at[j]], buf, sem)

        def wait_g(buf, sem):
            pltpu.make_async_copy(tab_sh.at[src_v.at[0]], buf, sem).wait()

        def fire_s(j, buf, sem):
            pltpu.async_copy(buf, agg_sh.at[dst_v.at[j]], sem, add=True)

        def wait_s(buf, sem):
            pltpu.make_async_copy(buf, agg_sh.at[dst_v.at[0]], sem).wait()

        fire_g(0, buf_a, sem_ga)
        fire_g(1, buf_b, sem_gb)

        def body(t, carry):
            j = 2 * t
            wait_g(buf_a, sem_ga)
            fire_s(j, buf_a, sem_sa)
            wait_g(buf_b, sem_gb)
            fire_s(j + 1, buf_b, sem_sb)
            wait_s(buf_a, sem_sa)

            @pl.when(t < nch // 2 - 1)
            def _():
                fire_g(j + 2, buf_a, sem_ga)

            wait_s(buf_b, sem_sb)

            @pl.when(t < nch // 2 - 1)
            def _():
                fire_g(j + 3, buf_b, sem_gb)
            return carry
        lax.fori_loop(0, nch // 2, body, 0)

        plsc.subcore_barrier()

        @pl.when(c == 0)
        def _():
            pltpu.sync_copy(agg_sh.at[pl.ds(off, sl)],
                            out0_hbm.at[pl.ds(off, sl), pl.ds(0, dh)])

        @pl.when(c == 1)
        def _():
            pltpu.sync_copy(agg_sh.at[pl.ds(off, sl)],
                            out1_hbm.at[pl.ds(off, sl), pl.ds(0, dh)])

    return agg_kernel(ei, hw, zrow)


def _tc_project(feats, deg4, w_mat, n_pad, bn):
    n, di = feats.shape
    wl = w_mat.shape[1]

    def body(feats_ref, deg_ref, w_ref, hw_ref, nd_ref):
        deg_o = deg_ref[:, 0:1] + deg_ref[:, 2:3]
        deg_i = deg_ref[:, 1:2] + deg_ref[:, 3:4]
        norm_o = lax.rsqrt(jnp.maximum(deg_o, 1.0))
        nd_ref[...] = lax.rsqrt(jnp.maximum(deg_i, 1.0))
        h = feats_ref[...] * norm_o
        hw_ref[...] = jnp.dot(h, w_ref[...],
                              preferred_element_type=jnp.float32)

    return pl.pallas_call(
        body,
        grid=(n_pad // bn,),
        in_specs=[
            pl.BlockSpec((bn, di), lambda i: (i, 0)),
            pl.BlockSpec((bn, 4), lambda i: (i, 0)),
            pl.BlockSpec((di, wl), lambda i: (0, 0)),
        ],
        out_specs=[
            pl.BlockSpec((bn, wl), lambda i: (i, 0)),
            pl.BlockSpec((bn, 1), lambda i: (i, 0)),
        ],
        out_shape=[
            jax.ShapeDtypeStruct((n_pad, wl), jnp.float32),
            jax.ShapeDtypeStruct((n_pad, 1), jnp.float32),
        ],
    )(feats, deg4, w_mat)


def _tc_finish(agg0, agg1, norm_dst, b2, n, bn, dh):
    wl = agg0.shape[1]

    n_pad = agg0.shape[0]

    def body(a0_ref, a1_ref, nd_ref, b_ref, out_ref):
        acc = (a0_ref[:, 0:dh] + a1_ref[:, 0:dh]) * nd_ref[...]
        out_ref[...] = jnp.maximum(acc + b_ref[...], 0.0).T

    return pl.pallas_call(
        body,
        grid=(n_pad // bn,),
        in_specs=[
            pl.BlockSpec((bn, wl), lambda i: (i, 0)),
            pl.BlockSpec((bn, wl), lambda i: (i, 0)),
            pl.BlockSpec((bn, 1), lambda i: (i, 0)),
            pl.BlockSpec((1, dh), lambda i: (0, 0)),
        ],
        out_specs=pl.BlockSpec((dh, bn), lambda i: (0, i)),
        out_shape=jax.ShapeDtypeStruct((dh, n), jnp.float32),
    )(agg0, agg1, norm_dst, b2)


def kernel(feats, edge_index, W, b):
    n, di = feats.shape
    dh = W.shape[1]
    e = edge_index.shape[1]
    nw = _NC * _NS

    ept = -(-e // (nw * 2 * _CC)) * 2 * _CC
    pad = nw * ept - e
    sl = -(-(n + 1) // (_NS * _CA)) * _CA
    n_pad = _NS * sl

    if pad:
        srcf = jnp.concatenate([edge_index[0], jnp.zeros((pad,), jnp.int32)])
        dstf = jnp.concatenate([edge_index[1], jnp.full((pad,), n, jnp.int32)])
        ei = jnp.concatenate([srcf, dstf]).reshape(2 * nw, ept // _CC, _CC)
        maskf = jnp.concatenate(
            [jnp.ones((e,), jnp.float32), jnp.zeros((pad,), jnp.float32)])
        maskp = maskf.reshape(nw, ept // _CC, _CC)
    else:
        ei = edge_index.reshape(2 * nw, ept // _CC, _CC)
        maskp = jnp.asarray(
            np.ones((nw, ept // _CC, _CC), np.float32))

    deg_part = _sc_degrees(ei, maskp, n_pad, sl).reshape(4, n_pad)
    deg4 = deg_part[:, :n].T

    bn1 = 2048 if n_pad % 2048 == 0 else sl
    w_pad = jnp.pad(W, ((0, 0), (0, 128 - dh))) if dh < 128 else W
    hw, norm_dst = _tc_project(feats, deg4, w_pad, n_pad, bn1)

    zrow = jnp.asarray(np.zeros((sl, dh), np.float32))
    agg0, agg1 = _sc_aggregate(ei, hw, zrow, n_pad, sl, dh)

    out_t = _tc_finish(agg0, agg1, norm_dst, b.reshape(1, dh), n, bn1, dh)
    return out_t.T

# --- scband reference (transcript-rebuilt; emitter-appended) ---
"""Pipeline reference for scband-unsupervised-gcn-66151086293514 (READ-ONLY COPY).

The authoritative reference and input builder live on the scoring server;
editing this copy changes nothing except your own understanding.
"""

import jax, jax.numpy as jnp
import numpy as np

N = 10000
E = 320000
D_IN = 128
D_HID = 64

def setup_inputs(seed: int = 0) -> dict:
    key = jax.random.key(seed)
    k1, k2, k3 = jax.random.split(key, 3)
    feats = jax.random.normal(k1, (N, D_IN), dtype=jnp.float32)
    edge_index = jax.random.randint(k2, (2, E), 0, N, dtype=jnp.int32)
    # GCNLayer (DGL GraphConv-style) parameters: single layer since num_layer=2 -> num_layer-1=1
    W = jax.random.normal(k3, (D_IN, D_HID), dtype=jnp.float32) * (1.0 / np.sqrt(D_IN))
    b = jnp.zeros((D_HID,), dtype=jnp.float32)
    return {"feats": feats, "edge_index": edge_index, "W": W, "b": b}

def reference(feats, edge_index, W, b):
    # UnsupervisedGCN with num_layer=2 builds exactly ONE GCNLayer (range(num_layer-1)),
    # with activation=F.relu (since i+1=1 < num_layer=2), residual/batchnorm/dropout disabled.
    # readout='root' is identity over node features.
    src = edge_index[0]
    dst = edge_index[1]
    n = feats.shape[0]
    ones = jnp.ones(src.shape[0], dtype=feats.dtype)
    # symmetric 'both' normalization as in DGL GraphConv
    deg_out = jnp.zeros((n,), dtype=feats.dtype).at[src].add(ones)
    deg_in = jnp.zeros((n,), dtype=feats.dtype).at[dst].add(ones)
    norm_src = jax.lax.rsqrt(jnp.maximum(deg_out, 1.0))
    norm_dst = jax.lax.rsqrt(jnp.maximum(deg_in, 1.0))
    h = feats * norm_src[:, None]
    msgs = jnp.take(h, src, axis=0)                      # gather (SparseCore)
    agg = jnp.zeros((n, h.shape[1]), dtype=h.dtype).at[dst].add(msgs)  # scatter-add
    agg = agg * norm_dst[:, None]
    out = agg @ W + b
    out = jax.nn.relu(out)
    return out

if __name__ == "__main__":
    import jax
    _d = setup_inputs()
    print(jax.jit(kernel)(*tuple(_d.values())))

</pallas_src>

<mosaic_0001>
#map = affine_map<(d0, d1) -> (0, 0, 0)>
#map1 = affine_map<(d0, d1) -> (0)>
module attributes {stable_mosaic.version = 14 : i64} {
  func.func @deg_kernel(%arg0: i32, %arg1: i32, %arg2: memref<64x50x200xi32, #tpu.memory_space<hbm>>, %arg3: memref<32x50x200xf32, #tpu.memory_space<hbm>>, %arg4: memref<40960xf32, #tpu.memory_space<hbm>>, %arg5: memref<50x200xi32, #tpu.memory_space<vmem>>, %arg6: memref<50x200xi32, #tpu.memory_space<vmem>>, %arg7: memref<50x200xf32, #tpu.memory_space<vmem>>, %arg8: memref<640xf32, #tpu.memory_space<vmem>>, %arg9: memref<10240xf32, #tpu.memory_space<vmem_shared>>, %arg10: memref<10240xf32, #tpu.memory_space<vmem_shared>>, %arg11: memref<!tpu.dma_semaphore, #tpu.memory_space<semaphore_mem>>) attributes {dimension_semantics = [#tpu.dimension_semantics<core_parallel>, #tpu.dimension_semantics<subcore_parallel>], iteration_bounds = array<i64: 2, 16>, scalar_prefetch = 0 : i64, scratch_operands = 7 : i64, tpu.core_type = #tpu.core_type<sc_vector_subcore>, window_params = [{transform_indices = #map}, {transform_indices = #map}, {transform_indices = #map1}]} {
    %mul3A = arith.constant 16 : i32
    %mul3A_0 = arith.muli %arg0, %mul3A : i32
    %add3A = arith.addi %mul3A_0, %arg1 : i32
    %mul3A_1 = arith.constant 640 : i32
    %mul3A_2 = arith.muli %arg1, %mul3A_1 : i32
    %scan3A = arith.constant 0 : i32
    %scan3A_3 = arith.constant 0 : i32
    %scan3A_4 = arith.constant 40 : i32
    %scan3A_5 = arith.addi %scan3A_3, %scan3A_4 : i32
    %scan3A_6 = arith.constant 1 : i32
    scf.for %scan3A_35 = %scan3A_3 to %scan3A_5 step %scan3A_6  : i32 {
      %broadcast_in_dim3A = arith.constant 0.000000e+00 : f32
      %broadcast_in_dim3A_36 = vector.broadcast %broadcast_in_dim3A : f32 to vector<16xf32>
      %mul3A_37 = arith.constant 16 : i32
      %mul3A_38 = arith.muli %scan3A_35, %mul3A_37 : i32
      %swap3A = arith.index_cast %mul3A_38 : i32 to index
      %swap3A_39 = tpu.vector_load %arg8[%swap3A] {strides = array<i32>} : memref<640xf32, #tpu.memory_space<vmem>>, vector<16xf32>,
      %swap3A_40 = vector.shape_cast %swap3A_39 : vector<16xf32> to vector<16xf32>
      %swap3A_41 = vector.shape_cast %broadcast_in_dim3A_36 : vector<16xf32> to vector<16xf32>
      tpu.vector_store %arg8[%swap3A], %swap3A_41 {strides = array<i32>} : memref<640xf32, #tpu.memory_space<vmem>>, vector<16xf32>,
    }
    %scan3A_7 = arith.constant 40 : i32
    "tpu.region"() ({
      %run_scoped3A = tpu.sem_alloc : memref<!tpu.dma_semaphore, #tpu.memory_space<semaphore_mem>>
      %dma_start3A = tpu.memref_slice %arg9[%mul3A_2] : memref<10240xf32, #tpu.memory_space<vmem_shared>> -> memref<640xf32, #tpu.memory_space<vmem_shared>>
      %dma_start3A_35 = tpu.memref_slice %arg9[%mul3A_2] : memref<10240xf32, #tpu.memory_space<vmem_shared>> -> memref<640xf32, #tpu.memory_space<vmem_shared>>
      tpu.enqueue_dma source(%arg8 : memref<640xf32, #tpu.memory_space<vmem>>) target(%dma_start3A_35 : memref<640xf32, #tpu.memory_space<vmem_shared>>) target_semaphore(%run_scoped3A : memref<!tpu.dma_semaphore, #tpu.memory_space<semaphore_mem>>)
      %dma_wait3A = tpu.memref_slice %arg9[%mul3A_2] : memref<10240xf32, #tpu.memory_space<vmem_shared>> -> memref<640xf32, #tpu.memory_space<vmem_shared>>
      %dma_wait3A_36 = tpu.memref_slice %arg9[%mul3A_2] : memref<10240xf32, #tpu.memory_space<vmem_shared>> -> memref<640xf32, #tpu.memory_space<vmem_shared>>
      tpu.wait_dma2 semaphore(%run_scoped3A : memref<!tpu.dma_semaphore, #tpu.memory_space<semaphore_mem>>) src(%arg8 : memref<640xf32, #tpu.memory_space<vmem>>) dst(%dma_wait3A_36 : memref<640xf32, #tpu.memory_space<vmem_shared>>)
      tpu.yield
    }) : () -> ()
    "tpu.region"() ({
      %run_scoped3A = tpu.sem_alloc : memref<!tpu.dma_semaphore, #tpu.memory_space<semaphore_mem>>
      %dma_start3A = tpu.memref_slice %arg10[%mul3A_2] : memref<10240xf32, #tpu.memory_space<vmem_shared>> -> memref<640xf32, #tpu.memory_space<vmem_shared>>
      %dma_start3A_35 = tpu.memref_slice %arg10[%mul3A_2] : memref<10240xf32, #tpu.memory_space<vmem_shared>> -> memref<640xf32, #tpu.memory_space<vmem_shared>>
      tpu.enqueue_dma source(%arg8 : memref<640xf32, #tpu.memory_space<vmem>>) target(%dma_start3A_35 : memref<640xf32, #tpu.memory_space<vmem_shared>>) target_semaphore(%run_scoped3A : memref<!tpu.dma_semaphore, #tpu.memory_space<semaphore_mem>>)
      %dma_wait3A = tpu.memref_slice %arg10[%mul3A_2] : memref<10240xf32, #tpu.memory_space<vmem_shared>> -> memref<640xf32, #tpu.memory_space<vmem_shared>>
      %dma_wait3A_36 = tpu.memref_slice %arg10[%mul3A_2] : memref<10240xf32, #tpu.memory_space<vmem_shared>> -> memref<640xf32, #tpu.memory_space<vmem_shared>>
      tpu.wait_dma2 semaphore(%run_scoped3A : memref<!tpu.dma_semaphore, #tpu.memory_space<semaphore_mem>>) src(%arg8 : memref<640xf32, #tpu.memory_space<vmem>>) dst(%dma_wait3A_36 : memref<640xf32, #tpu.memory_space<vmem_shared>>)
      tpu.yield
    }) : () -> ()
    "tpu.region"() ({
      %run_scoped3A = tpu.sem_alloc : memref<!tpu.dma_semaphore, #tpu.memory_space<semaphore_mem>>
      %dma_start3A = arith.constant 0 : i32
      %dma_start3A_35 = arith.constant 0 : i32
      %dma_start3A_36 = tpu.memref_slice %arg3[%add3A, %dma_start3A, %dma_start3A_35] : memref<32x50x200xf32, #tpu.memory_space<hbm>> -> memref<1x50x200xf32, #tpu.memory_space<hbm>>
      %dma_start3A_37 = tpu.memref_squeeze %dma_start3A_36 : memref<1x50x200xf32, #tpu.memory_space<hbm>> -> memref<50x200xf32, #tpu.memory_space<hbm>>
      %dma_start3A_38 = arith.constant 0 : i32
      %dma_start3A_39 = arith.constant 0 : i32
      %dma_start3A_40 = tpu.memref_slice %arg3[%add3A, %dma_start3A_38, %dma_start3A_39] : memref<32x50x200xf32, #tpu.memory_space<hbm>> -> memref<1x50x200xf32, #tpu.memory_space<hbm>>
      %dma_start3A_41 = tpu.memref_squeeze %dma_start3A_40 : memref<1x50x200xf32, #tpu.memory_space<hbm>> -> memref<50x200xf32, #tpu.memory_space<hbm>>
      tpu.enqueue_dma source(%dma_start3A_41 : memref<50x200xf32, #tpu.memory_space<hbm>>) target(%arg7 : memref<50x200xf32, #tpu.memory_space<vmem>>) target_semaphore(%run_scoped3A : memref<!tpu.dma_semaphore, #tpu.memory_space<semaphore_mem>>)
      %dma_wait3A = arith.constant 0 : i32
      %dma_wait3A_42 = arith.constant 0 : i32
      %dma_wait3A_43 = tpu.memref_slice %arg3[%add3A, %dma_wait3A, %dma_wait3A_42] : memref<32x50x200xf32, #tpu.memory_space<hbm>> -> memref<1x50x200xf32, #tpu.memory_space<hbm>>
      %dma_wait3A_44 = tpu.memref_squeeze %dma_wait3A_43 : memref<1x50x200xf32, #tpu.memory_space<hbm>> -> memref<50x200xf32, #tpu.memory_space<hbm>>
      %dma_wait3A_45 = arith.constant 0 : i32
      %dma_wait3A_46 = arith.constant 0 : i32
      %dma_wait3A_47 = tpu.memref_slice %arg3[%add3A, %dma_wait3A_45, %dma_wait3A_46] : memref<32x50x200xf32, #tpu.memory_space<hbm>> -> memref<1x50x200xf32, #tpu.memory_space<hbm>>
      %dma_wait3A_48 = tpu.memref_squeeze %dma_wait3A_47 : memref<1x50x200xf32, #tpu.memory_space<hbm>> -> memref<50x200xf32, #tpu.memory_space<hbm>>
      tpu.wait_dma2 semaphore(%run_scoped3A : memref<!tpu.dma_semaphore, #tpu.memory_space<semaphore_mem>>) src(%dma_wait3A_48 : memref<50x200xf32, #tpu.memory_space<hbm>>) dst(%arg7 : memref<50x200xf32, #tpu.memory_space<vmem>>)
      tpu.yield
    }) : () -> ()
    "tpu.region"() ({
      %run_scoped3A = tpu.sem_alloc : memref<!tpu.dma_semaphore, #tpu.memory_space<semaphore_mem>>
      %dma_start3A = arith.constant 0 : i32
      %dma_start3A_35 = arith.constant 0 : i32
      %dma_start3A_36 = tpu.memref_slice %arg2[%add3A, %dma_start3A, %dma_start3A_35] : memref<64x50x200xi32, #tpu.memory_space<hbm>> -> memref<1x50x200xi32, #tpu.memory_space<hbm>>
      %dma_start3A_37 = tpu.memref_squeeze %dma_start3A_36 : memref<1x50x200xi32, #tpu.memory_space<hbm>> -> memref<50x200xi32, #tpu.memory_space<hbm>>
      %dma_start3A_38 = arith.constant 0 : i32
      %dma_start3A_39 = arith.constant 0 : i32
      %dma_start3A_40 = tpu.memref_slice %arg2[%add3A, %dma_start3A_38, %dma_start3A_39] : memref<64x50x200xi32, #tpu.memory_space<hbm>> -> memref<1x50x200xi32, #tpu.memory_space<hbm>>
      %dma_start3A_41 = tpu.memref_squeeze %dma_start3A_40 : memref<1x50x200xi32, #tpu.memory_space<hbm>> -> memref<50x200xi32, #tpu.memory_space<hbm>>
      tpu.enqueue_dma source(%dma_start3A_41 : memref<50x200xi32, #tpu.memory_space<hbm>>) target(%arg5 : memref<50x200xi32, #tpu.memory_space<vmem>>) target_semaphore(%run_scoped3A : memref<!tpu.dma_semaphore, #tpu.memory_space<semaphore_mem>>)
      %dma_wait3A = arith.constant 0 : i32
      %dma_wait3A_42 = arith.constant 0 : i32
      %dma_wait3A_43 = tpu.memref_slice %arg2[%add3A, %dma_wait3A, %dma_wait3A_42] : memref<64x50x200xi32, #tpu.memory_space<hbm>> -> memref<1x50x200xi32, #tpu.memory_space<hbm>>
      %dma_wait3A_44 = tpu.memref_squeeze %dma_wait3A_43 : memref<1x50x200xi32, #tpu.memory_space<hbm>> -> memref<50x200xi32, #tpu.memory_space<hbm>>
      %dma_wait3A_45 = arith.constant 0 : i32
      %dma_wait3A_46 = arith.constant 0 : i32
      %dma_wait3A_47 = tpu.memref_slice %arg2[%add3A, %dma_wait3A_45, %dma_wait3A_46] : memref<64x50x200xi32, #tpu.memory_space<hbm>> -> memref<1x50x200xi32, #tpu.memory_space<hbm>>
      %dma_wait3A_48 = tpu.memref_squeeze %dma_wait3A_47 : memref<1x50x200xi32, #tpu.memory_space<hbm>> -> memref<50x200xi32, #tpu.memory_space<hbm>>
      tpu.wait_dma2 semaphore(%run_scoped3A : memref<!tpu.dma_semaphore, #tpu.memory_space<semaphore_mem>>) src(%dma_wait3A_48 : memref<50x200xi32, #tpu.memory_space<hbm>>) dst(%arg5 : memref<50x200xi32, #tpu.memory_space<vmem>>)
      tpu.yield
    }) : () -> ()
    %add3A_8 = arith.constant 32 : i32
    %add3A_9 = arith.addi %add3A_8, %add3A : i32
    "tpu.region"() ({
      %run_scoped3A = tpu.sem_alloc : memref<!tpu.dma_semaphore, #tpu.memory_space<semaphore_mem>>
      %dma_start3A = arith.constant 0 : i32
      %dma_start3A_35 = arith.constant 0 : i32
      %dma_start3A_36 = tpu.memref_slice %arg2[%add3A_9, %dma_start3A, %dma_start3A_35] : memref<64x50x200xi32, #tpu.memory_space<hbm>> -> memref<1x50x200xi32, #tpu.memory_space<hbm>>
      %dma_start3A_37 = tpu.memref_squeeze %dma_start3A_36 : memref<1x50x200xi32, #tpu.memory_space<hbm>> -> memref<50x200xi32, #tpu.memory_space<hbm>>
      %dma_start3A_38 = arith.constant 0 : i32
      %dma_start3A_39 = arith.constant 0 : i32
      %dma_start3A_40 = tpu.memref_slice %arg2[%add3A_9, %dma_start3A_38, %dma_start3A_39] : memref<64x50x200xi32, #tpu.memory_space<hbm>> -> memref<1x50x200xi32, #tpu.memory_space<hbm>>
      %dma_start3A_41 = tpu.memref_squeeze %dma_start3A_40 : memref<1x50x200xi32, #tpu.memory_space<hbm>> -> memref<50x200xi32, #tpu.memory_space<hbm>>
      tpu.enqueue_dma source(%dma_start3A_41 : memref<50x200xi32, #tpu.memory_space<hbm>>) target(%arg6 : memref<50x200xi32, #tpu.memory_space<vmem>>) target_semaphore(%run_scoped3A : memref<!tpu.dma_semaphore, #tpu.memory_space<semaphore_mem>>)
      %dma_wait3A = arith.constant 0 : i32
      %dma_wait3A_42 = arith.constant 0 : i32
      %dma_wait3A_43 = tpu.memref_slice %arg2[%add3A_9, %dma_wait3A, %dma_wait3A_42] : memref<64x50x200xi32, #tpu.memory_space<hbm>> -> memref<1x50x200xi32, #tpu.memory_space<hbm>>
      %dma_wait3A_44 = tpu.memref_squeeze %dma_wait3A_43 : memref<1x50x200xi32, #tpu.memory_space<hbm>> -> memref<50x200xi32, #tpu.memory_space<hbm>>
      %dma_wait3A_45 = arith.constant 0 : i32
      %dma_wait3A_46 = arith.constant 0 : i32
      %dma_wait3A_47 = tpu.memref_slice %arg2[%add3A_9, %dma_wait3A_45, %dma_wait3A_46] : memref<64x50x200xi32, #tpu.memory_space<hbm>> -> memref<1x50x200xi32, #tpu.memory_space<hbm>>
      %dma_wait3A_48 = tpu.memref_squeeze %dma_wait3A_47 : memref<1x50x200xi32, #tpu.memory_space<hbm>> -> memref<50x200xi32, #tpu.memory_space<hbm>>
      tpu.wait_dma2 semaphore(%run_scoped3A : memref<!tpu.dma_semaphore, #tpu.memory_space<semaphore_mem>>) src(%dma_wait3A_48 : memref<50x200xi32, #tpu.memory_space<hbm>>) dst(%arg6 : memref<50x200xi32, #tpu.memory_space<vmem>>)
      tpu.yield
    }) : () -> ()
    %barrier3A = arith.constant 0 : index
    tpu.barrier barrier_id(%barrier3A)
    %scan3A_10 = arith.constant 0 : i32
    %scan3A_11 = arith.constant 0 : i32
    %scan3A_12 = arith.constant 50 : i32
    %scan3A_13 = arith.addi %scan3A_11, %scan3A_12 : i32
    %scan3A_14 = arith.constant 1 : i32
    scf.for %scan3A_35 = %scan3A_11 to %scan3A_13 step %scan3A_14  : i32 {
      %dma_start3A = arith.constant 0 : i32
      %dma_start3A_36 = tpu.memref_slice %arg7[%scan3A_35, %dma_start3A] : memref<50x200xf32, #tpu.memory_space<vmem>> -> memref<1x200xf32, #tpu.memory_space<vmem>>
      %dma_start3A_37 = tpu.memref_squeeze %dma_start3A_36 : memref<1x200xf32, #tpu.memory_space<vmem>> -> memref<200xf32, #tpu.memory_space<vmem>>
      %dma_start3A_38 = arith.constant 0 : i32
      %dma_start3A_39 = tpu.memref_slice %arg5[%scan3A_35, %dma_start3A_38] : memref<50x200xi32, #tpu.memory_space<vmem>> -> memref<1x200xi32, #tpu.memory_space<vmem>>
      %dma_start3A_40 = tpu.memref_squeeze %dma_start3A_39 : memref<1x200xi32, #tpu.memory_space<vmem>> -> memref<200xi32, #tpu.memory_space<vmem>>
      %dma_start3A_41 = arith.constant 0 : i32
      %dma_start3A_42 = tpu.memref_slice %arg9[%dma_start3A_41] : memref<10240xf32, #tpu.memory_space<vmem_shared>> -> memref<10240xf32, #tpu.memory_space<vmem_shared>>
      tpu.enqueue_indirect_dma source(%dma_start3A_37 : memref<200xf32, #tpu.memory_space<vmem>>) target(%dma_start3A_42 : memref<10240xf32, #tpu.memory_space<vmem_shared>>) offsets(%dma_start3A_40 : memref<200xi32, #tpu.memory_space<vmem>>) semaphore(%arg11 : memref<!tpu.dma_semaphore, #tpu.memory_space<semaphore_mem>>) {add = true}
      %dma_start3A_43 = arith.constant 0 : i32
      %dma_start3A_44 = tpu.memref_slice %arg7[%scan3A_35, %dma_start3A_43] : memref<50x200xf32, #tpu.memory_space<vmem>> -> memref<1x200xf32, #tpu.memory_space<vmem>>
      %dma_start3A_45 = tpu.memref_squeeze %dma_start3A_44 : memref<1x200xf32, #tpu.memory_space<vmem>> -> memref<200xf32, #tpu.memory_space<vmem>>
      %dma_start3A_46 = arith.constant 0 : i32
      %dma_start3A_47 = tpu.memref_slice %arg6[%scan3A_35, %dma_start3A_46] : memref<50x200xi32, #tpu.memory_space<vmem>> -> memref<1x200xi32, #tpu.memory_space<vmem>>
      %dma_start3A_48 = tpu.memref_squeeze %dma_start3A_47 : memref<1x200xi32, #tpu.memory_space<vmem>> -> memref<200xi32, #tpu.memory_space<vmem>>
      %dma_start3A_49 = arith.constant 0 : i32
      %dma_start3A_50 = tpu.memref_slice %arg10[%dma_start3A_49] : memref<10240xf32, #tpu.memory_space<vmem_shared>> -> memref<10240xf32, #tpu.memory_space<vmem_shared>>
      tpu.enqueue_indirect_dma source(%dma_start3A_45 : memref<200xf32, #tpu.memory_space<vmem>>) target(%dma_start3A_50 : memref<10240xf32, #tpu.memory_space<vmem_shared>>) offsets(%dma_start3A_48 : memref<200xi32, #tpu.memory_space<vmem>>) semaphore(%arg11 : memref<!tpu.dma_semaphore, #tpu.memory_space<semaphore_mem>>) {add = true}
    }
    %scan3A_15 = arith.constant 50 : i32
    %scan3A_16 = arith.constant 0 : i32
    %scan3A_17 = arith.constant 0 : i32
    %scan3A_18 = arith.constant 50 : i32
    %scan3A_19 = arith.addi %scan3A_17, %scan3A_18 : i32
    %scan3A_20 = arith.constant 1 : i32
    scf.for %scan3A_35 = %scan3A_17 to %scan3A_19 step %scan3A_20  : i32 {
      %dma_wait3A = arith.constant 0 : i32
      %dma_wait3A_36 = arith.constant 0 : i32
      %dma_wait3A_37 = arith.constant 0 : i32
      %dma_wait3A_38 = tpu.memref_slice %arg7[%dma_wait3A, %dma_wait3A_37] : memref<50x200xf32, #tpu.memory_space<vmem>> -> memref<1x200xf32, #tpu.memory_space<vmem>>
      %dma_wait3A_39 = tpu.memref_squeeze %dma_wait3A_38 : memref<1x200xf32, #tpu.memory_space<vmem>> -> memref<200xf32, #tpu.memory_space<vmem>>
      %dma_wait3A_40 = arith.constant 0 : i32
      %dma_wait3A_41 = tpu.memref_slice %arg5[%dma_wait3A_36, %dma_wait3A_40] : memref<50x200xi32, #tpu.memory_space<vmem>> -> memref<1x200xi32, #tpu.memory_space<vmem>>
      %dma_wait3A_42 = tpu.memref_squeeze %dma_wait3A_41 : memref<1x200xi32, #tpu.memory_space<vmem>> -> memref<200xi32, #tpu.memory_space<vmem>>
      %dma_wait3A_43 = arith.constant 0 : i32
      %dma_wait3A_44 = tpu.memref_slice %arg9[%dma_wait3A_43] : memref<10240xf32, #tpu.memory_space<vmem_shared>> -> memref<10240xf32, #tpu.memory_space<vmem_shared>>
      tpu.wait_indirect_dma semaphore(%arg11 : memref<!tpu.dma_semaphore, #tpu.memory_space<semaphore_mem>>) src(%dma_wait3A_39 : memref<200xf32, #tpu.memory_space<vmem>>) dst(%dma_wait3A_44 : memref<10240xf32, #tpu.memory_space<vmem_shared>>)
      %dma_wait3A_45 = arith.constant 0 : i32
      %dma_wait3A_46 = arith.constant 0 : i32
      %dma_wait3A_47 = arith.constant 0 : i32
      %dma_wait3A_48 = tpu.memref_slice %arg7[%dma_wait3A_45, %dma_wait3A_47] : memref<50x200xf32, #tpu.memory_space<vmem>> -> memref<1x200xf32, #tpu.memory_space<vmem>>
      %dma_wait3A_49 = tpu.memref_squeeze %dma_wait3A_48 : memref<1x200xf32, #tpu.memory_space<vmem>> -> memref<200xf32, #tpu.memory_space<vmem>>
      %dma_wait3A_50 = arith.constant 0 : i32
      %dma_wait3A_51 = tpu.memref_slice %arg6[%dma_wait3A_46, %dma_wait3A_50] : memref<50x200xi32, #tpu.memory_space<vmem>> -> memref<1x200xi32, #tpu.memory_space<vmem>>
      %dma_wait3A_52 = tpu.memref_squeeze %dma_wait3A_51 : memref<1x200xi32, #tpu.memory_space<vmem>> -> memref<200xi32, #tpu.memory_space<vmem>>
      %dma_wait3A_53 = arith.constant 0 : i32
      %dma_wait3A_54 = tpu.memref_slice %arg10[%dma_wait3A_53] : memref<10240xf32, #tpu.memory_space<vmem_shared>> -> memref<10240xf32, #tpu.memory_space<vmem_shared>>
      tpu.wait_indirect_dma semaphore(%arg11 : memref<!tpu.dma_semaphore, #tpu.memory_space<semaphore_mem>>) src(%dma_wait3A_49 : memref<200xf32, #tpu.memory_space<vmem>>) dst(%dma_wait3A_54 : memref<10240xf32, #tpu.memory_space<vmem_shared>>)
    }
    %scan3A_21 = arith.constant 50 : i32
    %barrier3A_22 = arith.constant 0 : index
    tpu.barrier barrier_id(%barrier3A_22)
    "tpu.region"() ({
      %run_scoped3A = tpu.sem_alloc : memref<!tpu.dma_semaphore, #tpu.memory_space<semaphore_mem>>
      %dma_start3A = tpu.memref_slice %arg9[%mul3A_2] : memref<10240xf32, #tpu.memory_space<vmem_shared>> -> memref<640xf32, #tpu.memory_space<vmem_shared>>
      %dma_start3A_35 = tpu.memref_slice %arg9[%mul3A_2] : memref<10240xf32, #tpu.memory_space<vmem_shared>> -> memref<640xf32, #tpu.memory_space<vmem_shared>>
      tpu.enqueue_dma source(%dma_start3A_35 : memref<640xf32, #tpu.memory_space<vmem_shared>>) target(%arg8 : memref<640xf32, #tpu.memory_space<vmem>>) target_semaphore(%run_scoped3A : memref<!tpu.dma_semaphore, #tpu.memory_space<semaphore_mem>>)
      %dma_wait3A = tpu.memref_slice %arg9[%mul3A_2] : memref<10240xf32, #tpu.memory_space<vmem_shared>> -> memref<640xf32, #tpu.memory_space<vmem_shared>>
      %dma_wait3A_36 = tpu.memref_slice %arg9[%mul3A_2] : memref<10240xf32, #tpu.memory_space<vmem_shared>> -> memref<640xf32, #tpu.memory_space<vmem_shared>>
      tpu.wait_dma2 semaphore(%run_scoped3A : memref<!tpu.dma_semaphore, #tpu.memory_space<semaphore_mem>>) src(%dma_wait3A_36 : memref<640xf32, #tpu.memory_space<vmem_shared>>) dst(%arg8 : memref<640xf32, #tpu.memory_space<vmem>>)
      tpu.yield
    }) : () -> ()
    %mul3A_23 = arith.constant 2 : i32
    %mul3A_24 = arith.muli %arg0, %mul3A_23 : i32
    %mul3A_25 = arith.constant 10240 : i32
    %mul3A_26 = arith.muli %mul3A_24, %mul3A_25 : i32
    %add3A_27 = arith.addi %mul3A_26, %mul3A_2 : i32
    "tpu.region"() ({
      %run_scoped3A = tpu.sem_alloc : memref<!tpu.dma_semaphore, #tpu.memory_space<semaphore_mem>>
      %dma_start3A = tpu.memref_slice %arg4[%add3A_27] : memref<40960xf32, #tpu.memory_space<hbm>> -> memref<640xf32, #tpu.memory_space<hbm>>
      %dma_start3A_35 = tpu.memref_slice %arg4[%add3A_27] : memref<40960xf32, #tpu.memory_space<hbm>> -> memref<640xf32, #tpu.memory_space<hbm>>
      tpu.enqueue_dma source(%arg8 : memref<640xf32, #tpu.memory_space<vmem>>) target(%dma_start3A_35 : memref<640xf32, #tpu.memory_space<hbm>>) target_semaphore(%run_scoped3A : memref<!tpu.dma_semaphore, #tpu.memory_space<semaphore_mem>>)
      %dma_wait3A = tpu.memref_slice %arg4[%add3A_27] : memref<40960xf32, #tpu.memory_space<hbm>> -> memref<640xf32, #tpu.memory_space<hbm>>
      %dma_wait3A_36 = tpu.memref_slice %arg4[%add3A_27] : memref<40960xf32, #tpu.memory_space<hbm>> -> memref<640xf32, #tpu.memory_space<hbm>>
      tpu.wait_dma2 semaphore(%run_scoped3A : memref<!tpu.dma_semaphore, #tpu.memory_space<semaphore_mem>>) src(%arg8 : memref<640xf32, #tpu.memory_space<vmem>>) dst(%dma_wait3A_36 : memref<640xf32, #tpu.memory_space<hbm>>)
      tpu.yield
    }) : () -> ()
    "tpu.region"() ({
      %run_scoped3A = tpu.sem_alloc : memref<!tpu.dma_semaphore, #tpu.memory_space<semaphore_mem>>
      %dma_start3A = tpu.memref_slice %arg10[%mul3A_2] : memref<10240xf32, #tpu.memory_space<vmem_shared>> -> memref<640xf32, #tpu.memory_space<vmem_shared>>
      %dma_start3A_35 = tpu.memref_slice %arg10[%mul3A_2] : memref<10240xf32, #tpu.memory_space<vmem_shared>> -> memref<640xf32, #tpu.memory_space<vmem_shared>>
      tpu.enqueue_dma source(%dma_start3A_35 : memref<640xf32, #tpu.memory_space<vmem_shared>>) target(%arg8 : memref<640xf32, #tpu.memory_space<vmem>>) target_semaphore(%run_scoped3A : memref<!tpu.dma_semaphore, #tpu.memory_space<semaphore_mem>>)
      %dma_wait3A = tpu.memref_slice %arg10[%mul3A_2] : memref<10240xf32, #tpu.memory_space<vmem_shared>> -> memref<640xf32, #tpu.memory_space<vmem_shared>>
      %dma_wait3A_36 = tpu.memref_slice %arg10[%mul3A_2] : memref<10240xf32, #tpu.memory_space<vmem_shared>> -> memref<640xf32, #tpu.memory_space<vmem_shared>>
      tpu.wait_dma2 semaphore(%run_scoped3A : memref<!tpu.dma_semaphore, #tpu.memory_space<semaphore_mem>>) src(%dma_wait3A_36 : memref<640xf32, #tpu.memory_space<vmem_shared>>) dst(%arg8 : memref<640xf32, #tpu.memory_space<vmem>>)
      tpu.yield
    }) : () -> ()
    %mul3A_28 = arith.constant 2 : i32
    %mul3A_29 = arith.muli %arg0, %mul3A_28 : i32
    %add3A_30 = arith.constant 1 : i32
    %add3A_31 = arith.addi %mul3A_29, %add3A_30 : i32
    %mul3A_32 = arith.constant 10240 : i32
    %mul3A_33 = arith.muli %add3A_31, %mul3A_32 : i32
    %add3A_34 = arith.addi %mul3A_33, %mul3A_2 : i32
    "tpu.region"() ({
      %run_scoped3A = tpu.sem_alloc : memref<!tpu.dma_semaphore, #tpu.memory_space<semaphore_mem>>
      %dma_start3A = tpu.memref_slice %arg4[%add3A_34] : memref<40960xf32, #tpu.memory_space<hbm>> -> memref<640xf32, #tpu.memory_space<hbm>>
      %dma_start3A_35 = tpu.memref_slice %arg4[%add3A_34] : memref<40960xf32, #tpu.memory_space<hbm>> -> memref<640xf32, #tpu.memory_space<hbm>>
      tpu.enqueue_dma source(%arg8 : memref<640xf32, #tpu.memory_space<vmem>>) target(%dma_start3A_35 : memref<640xf32, #tpu.memory_space<hbm>>) target_semaphore(%run_scoped3A : memref<!tpu.dma_semaphore, #tpu.memory_space<semaphore_mem>>)
      %dma_wait3A = tpu.memref_slice %arg4[%add3A_34] : memref<40960xf32, #tpu.memory_space<hbm>> -> memref<640xf32, #tpu.memory_space<hbm>>
      %dma_wait3A_36 = tpu.memref_slice %arg4[%add3A_34] : memref<40960xf32, #tpu.memory_space<hbm>> -> memref<640xf32, #tpu.memory_space<hbm>>
      tpu.wait_dma2 semaphore(%run_scoped3A : memref<!tpu.dma_semaphore, #tpu.memory_space<semaphore_mem>>) src(%arg8 : memref<640xf32, #tpu.memory_space<vmem>>) dst(%dma_wait3A_36 : memref<640xf32, #tpu.memory_space<hbm>>)
      tpu.yield
    }) : () -> ()
    return
  }
}

#map = affine_map<(d0, d1) -> (0, 0, 0)>
#map1 = affine_map<(d0, d1) -> (0, 0)>
module attributes {stable_mosaic.version = 14 : i64} {
  func.func @agg_kernel(%arg0: i32, %arg1: i32, %arg2: memref<64x50x200xi32, #tpu.memory_space<hbm>>, %arg3: memref<10240x128xf32, #tpu.memory_space<hbm>>, %arg4: memref<640x64xf32, #tpu.memory_space<hbm>>, %arg5: memref<10240x128xf32, #tpu.memory_space<hbm>>, %arg6: memref<10240x128xf32, #tpu.memory_space<hbm>>, %arg7: memref<50x200xi32, #tpu.memory_space<vmem>>, %arg8: memref<50x200xi32, #tpu.memory_space<vmem>>, %arg9: memref<200x64xf32, #tpu.memory_space<vmem>>, %arg10: memref<200x64xf32, #tpu.memory_space<vmem>>, %arg11: memref<10240x64xf32, #tpu.memory_space<vmem_shared>>, %arg12: memref<10240x64xf32, #tpu.memory_space<vmem_shared>>, %arg13: memref<!tpu.dma_semaphore, #tpu.memory_space<semaphore_mem>>, %arg14: memref<!tpu.dma_semaphore, #tpu.memory_space<semaphore_mem>>, %arg15: memref<!tpu.dma_semaphore, #tpu.memory_space<semaphore_mem>>, %arg16: memref<!tpu.dma_semaphore, #tpu.memory_space<semaphore_mem>>) attributes {dimension_semantics = [#tpu.dimension_semantics<core_parallel>, #tpu.dimension_semantics<subcore_parallel>], iteration_bounds = array<i64: 2, 16>, scalar_prefetch = 0 : i64, scratch_operands = 10 : i64, tpu.core_type = #tpu.core_type<sc_vector_subcore>, window_params = [{transform_indices = #map}, {transform_indices = #map1}, {transform_indices = #map1}, {transform_indices = #map1}, {transform_indices = #map1}]} {
    %mul3A = arith.constant 16 : i32
    %mul3A_0 = arith.muli %arg0, %mul3A : i32
    %add3A = arith.addi %mul3A_0, %arg1 : i32
    %mul3A_1 = arith.constant 640 : i32
    %mul3A_2 = arith.muli %arg1, %mul3A_1 : i32
    "tpu.region"() ({
      %run_scoped3A = tpu.sem_alloc : memref<!tpu.dma_semaphore, #tpu.memory_space<semaphore_mem>>
      %dma_start3A_31 = arith.constant 0 : i32
      %dma_start3A_32 = arith.constant 0 : i32
      %dma_start3A_33 = tpu.memref_slice %arg2[%add3A, %dma_start3A_31, %dma_start3A_32] : memref<64x50x200xi32, #tpu.memory_space<hbm>> -> memref<1x50x200xi32, #tpu.memory_space<hbm>>
      %dma_start3A_34 = tpu.memref_squeeze %dma_start3A_33 : memref<1x50x200xi32, #tpu.memory_space<hbm>> -> memref<50x200xi32, #tpu.memory_space<hbm>>
      %dma_start3A_35 = arith.constant 0 : i32
      %dma_start3A_36 = arith.constant 0 : i32
      %dma_start3A_37 = tpu.memref_slice %arg2[%add3A, %dma_start3A_35, %dma_start3A_36] : memref<64x50x200xi32, #tpu.memory_space<hbm>> -> memref<1x50x200xi32, #tpu.memory_space<hbm>>
      %dma_start3A_38 = tpu.memref_squeeze %dma_start3A_37 : memref<1x50x200xi32, #tpu.memory_space<hbm>> -> memref<50x200xi32, #tpu.memory_space<hbm>>
      tpu.enqueue_dma source(%dma_start3A_38 : memref<50x200xi32, #tpu.memory_space<hbm>>) target(%arg7 : memref<50x200xi32, #tpu.memory_space<vmem>>) target_semaphore(%run_scoped3A : memref<!tpu.dma_semaphore, #tpu.memory_space<semaphore_mem>>)
      %dma_wait3A = arith.constant 0 : i32
      %dma_wait3A_39 = arith.constant 0 : i32
      %dma_wait3A_40 = tpu.memref_slice %arg2[%add3A, %dma_wait3A, %dma_wait3A_39] : memref<64x50x200xi32, #tpu.memory_space<hbm>> -> memref<1x50x200xi32, #tpu.memory_space<hbm>>
      %dma_wait3A_41 = tpu.memref_squeeze %dma_wait3A_40 : memref<1x50x200xi32, #tpu.memory_space<hbm>> -> memref<50x200xi32, #tpu.memory_space<hbm>>
      %dma_wait3A_42 = arith.constant 0 : i32
      %dma_wait3A_43 = arith.constant 0 : i32
      %dma_wait3A_44 = tpu.memref_slice %arg2[%add3A, %dma_wait3A_42, %dma_wait3A_43] : memref<64x50x200xi32, #tpu.memory_space<hbm>> -> memref<1x50x200xi32, #tpu.memory_space<hbm>>
      %dma_wait3A_45 = tpu.memref_squeeze %dma_wait3A_44 : memref<1x50x200xi32, #tpu.memory_space<hbm>> -> memref<50x200xi32, #tpu.memory_space<hbm>>
      tpu.wait_dma2 semaphore(%run_scoped3A : memref<!tpu.dma_semaphore, #tpu.memory_space<semaphore_mem>>) src(%dma_wait3A_45 : memref<50x200xi32, #tpu.memory_space<hbm>>) dst(%arg7 : memref<50x200xi32, #tpu.memory_space<vmem>>)
      tpu.yield
    }) : () -> ()
    %add3A_3 = arith.constant 32 : i32
    %add3A_4 = arith.addi %add3A_3, %add3A : i32
    "tpu.region"() ({
      %run_scoped3A = tpu.sem_alloc : memref<!tpu.dma_semaphore, #tpu.memory_space<semaphore_mem>>
      %dma_start3A_31 = arith.constant 0 : i32
      %dma_start3A_32 = arith.constant 0 : i32
      %dma_start3A_33 = tpu.memref_slice %arg2[%add3A_4, %dma_start3A_31, %dma_start3A_32] : memref<64x50x200xi32, #tpu.memory_space<hbm>> -> memref<1x50x200xi32, #tpu.memory_space<hbm>>
      %dma_start3A_34 = tpu.memref_squeeze %dma_start3A_33 : memref<1x50x200xi32, #tpu.memory_space<hbm>> -> memref<50x200xi32, #tpu.memory_space<hbm>>
      %dma_start3A_35 = arith.constant 0 : i32
      %dma_start3A_36 = arith.constant 0 : i32
      %dma_start3A_37 = tpu.memref_slice %arg2[%add3A_4, %dma_start3A_35, %dma_start3A_36] : memref<64x50x200xi32, #tpu.memory_space<hbm>> -> memref<1x50x200xi32, #tpu.memory_space<hbm>>
      %dma_start3A_38 = tpu.memref_squeeze %dma_start3A_37 : memref<1x50x200xi32, #tpu.memory_space<hbm>> -> memref<50x200xi32, #tpu.memory_space<hbm>>
      tpu.enqueue_dma source(%dma_start3A_38 : memref<50x200xi32, #tpu.memory_space<hbm>>) target(%arg8 : memref<50x200xi32, #tpu.memory_space<vmem>>) target_semaphore(%run_scoped3A : memref<!tpu.dma_semaphore, #tpu.memory_space<semaphore_mem>>)
      %dma_wait3A = arith.constant 0 : i32
      %dma_wait3A_39 = arith.constant 0 : i32
      %dma_wait3A_40 = tpu.memref_slice %arg2[%add3A_4, %dma_wait3A, %dma_wait3A_39] : memref<64x50x200xi32, #tpu.memory_space<hbm>> -> memref<1x50x200xi32, #tpu.memory_space<hbm>>
      %dma_wait3A_41 = tpu.memref_squeeze %dma_wait3A_40 : memref<1x50x200xi32, #tpu.memory_space<hbm>> -> memref<50x200xi32, #tpu.memory_space<hbm>>
      %dma_wait3A_42 = arith.constant 0 : i32
      %dma_wait3A_43 = arith.constant 0 : i32
      %dma_wait3A_44 = tpu.memref_slice %arg2[%add3A_4, %dma_wait3A_42, %dma_wait3A_43] : memref<64x50x200xi32, #tpu.memory_space<hbm>> -> memref<1x50x200xi32, #tpu.memory_space<hbm>>
      %dma_wait3A_45 = tpu.memref_squeeze %dma_wait3A_44 : memref<1x50x200xi32, #tpu.memory_space<hbm>> -> memref<50x200xi32, #tpu.memory_space<hbm>>
      tpu.wait_dma2 semaphore(%run_scoped3A : memref<!tpu.dma_semaphore, #tpu.memory_space<semaphore_mem>>) src(%dma_wait3A_45 : memref<50x200xi32, #tpu.memory_space<hbm>>) dst(%arg8 : memref<50x200xi32, #tpu.memory_space<vmem>>)
      tpu.yield
    }) : () -> ()
    "tpu.region"() ({
      %run_scoped3A = tpu.sem_alloc : memref<!tpu.dma_semaphore, #tpu.memory_space<semaphore_mem>>
      %dma_start3A_31 = arith.constant 0 : i32
      %dma_start3A_32 = tpu.memref_slice %arg12[%mul3A_2, %dma_start3A_31] : memref<10240x64xf32, #tpu.memory_space<vmem_shared>> -> memref<640x64xf32, #tpu.memory_space<vmem_shared>>
      tpu.enqueue_dma source(%arg4 : memref<640x64xf32, #tpu.memory_space<hbm>>) target(%dma_start3A_32 : memref<640x64xf32, #tpu.memory_space<vmem_shared>>) target_semaphore(%run_scoped3A : memref<!tpu.dma_semaphore, #tpu.memory_space<semaphore_mem>>)
      %dma_wait3A = arith.constant 0 : i32
      %dma_wait3A_33 = tpu.memref_slice %arg12[%mul3A_2, %dma_wait3A] : memref<10240x64xf32, #tpu.memory_space<vmem_shared>> -> memref<640x64xf32, #tpu.memory_space<vmem_shared>>
      tpu.wait_dma2 semaphore(%run_scoped3A : memref<!tpu.dma_semaphore, #tpu.memory_space<semaphore_mem>>) src(%arg4 : memref<640x64xf32, #tpu.memory_space<hbm>>) dst(%dma_wait3A_33 : memref<640x64xf32, #tpu.memory_space<vmem_shared>>)
      tpu.yield
    }) : () -> ()
    "tpu.region"() ({
      %run_scoped3A = tpu.sem_alloc : memref<!tpu.dma_semaphore, #tpu.memory_space<semaphore_mem>>
      %dma_start3A_31 = arith.constant 0 : i32
      %dma_start3A_32 = tpu.memref_slice %arg11[%mul3A_2, %dma_start3A_31] : memref<10240x64xf32, #tpu.memory_space<vmem_shared>> -> memref<640x64xf32, #tpu.memory_space<vmem_shared>>
      %dma_start3A_33 = arith.constant 0 : i32
      %dma_start3A_34 = tpu.memref_slice %arg3[%mul3A_2, %dma_start3A_33] : memref<10240x128xf32, #tpu.memory_space<hbm>> -> memref<640x64xf32, #tpu.memory_space<hbm>>
      tpu.enqueue_dma source(%dma_start3A_34 : memref<640x64xf32, #tpu.memory_space<hbm>>) target(%dma_start3A_32 : memref<640x64xf32, #tpu.memory_space<vmem_shared>>) target_semaphore(%run_scoped3A : memref<!tpu.dma_semaphore, #tpu.memory_space<semaphore_mem>>)
      %dma_wait3A = arith.constant 0 : i32
      %dma_wait3A_35 = tpu.memref_slice %arg11[%mul3A_2, %dma_wait3A] : memref<10240x64xf32, #tpu.memory_space<vmem_shared>> -> memref<640x64xf32, #tpu.memory_space<vmem_shared>>
      %dma_wait3A_36 = arith.constant 0 : i32
      %dma_wait3A_37 = tpu.memref_slice %arg3[%mul3A_2, %dma_wait3A_36] : memref<10240x128xf32, #tpu.memory_space<hbm>> -> memref<640x64xf32, #tpu.memory_space<hbm>>
      tpu.wait_dma2 semaphore(%run_scoped3A : memref<!tpu.dma_semaphore, #tpu.memory_space<semaphore_mem>>) src(%dma_wait3A_37 : memref<640x64xf32, #tpu.memory_space<hbm>>) dst(%dma_wait3A_35 : memref<640x64xf32, #tpu.memory_space<vmem_shared>>)
      tpu.yield
    }) : () -> ()
    %barrier3A = arith.constant 0 : index
    tpu.barrier barrier_id(%barrier3A)
    %dma_start3A = arith.constant 0 : i32
    %dma_start3A_5 = arith.constant 0 : i32
    %dma_start3A_6 = tpu.memref_slice %arg7[%dma_start3A, %dma_start3A_5] : memref<50x200xi32, #tpu.memory_space<vmem>> -> memref<1x200xi32, #tpu.memory_space<vmem>>
    %dma_start3A_7 = tpu.memref_squeeze %dma_start3A_6 : memref<1x200xi32, #tpu.memory_space<vmem>> -> memref<200xi32, #tpu.memory_space<vmem>>
    %dma_start3A_8 = arith.constant 0 : i32
    %dma_start3A_9 = arith.constant 0 : i32
    %dma_start3A_10 = tpu.memref_slice %arg11[%dma_start3A_8, %dma_start3A_9] : memref<10240x64xf32, #tpu.memory_space<vmem_shared>> -> memref<10240x64xf32, #tpu.memory_space<vmem_shared>>
    tpu.enqueue_indirect_dma source(%dma_start3A_10 : memref<10240x64xf32, #tpu.memory_space<vmem_shared>>) target(%arg9 : memref<200x64xf32, #tpu.memory_space<vmem>>) offsets(%dma_start3A_7 : memref<200xi32, #tpu.memory_space<vmem>>) semaphore(%arg13 : memref<!tpu.dma_semaphore, #tpu.memory_space<semaphore_mem>>)
    %dma_start3A_11 = arith.constant 1 : i32
    %dma_start3A_12 = arith.constant 0 : i32
    %dma_start3A_13 = tpu.memref_slice %arg7[%dma_start3A_11, %dma_start3A_12] : memref<50x200xi32, #tpu.memory_space<vmem>> -> memref<1x200xi32, #tpu.memory_space<vmem>>
    %dma_start3A_14 = tpu.memref_squeeze %dma_start3A_13 : memref<1x200xi32, #tpu.memory_space<vmem>> -> memref<200xi32, #tpu.memory_space<vmem>>
    %dma_start3A_15 = arith.constant 0 : i32
    %dma_start3A_16 = arith.constant 0 : i32
    %dma_start3A_17 = tpu.memref_slice %arg11[%dma_start3A_15, %dma_start3A_16] : memref<10240x64xf32, #tpu.memory_space<vmem_shared>> -> memref<10240x64xf32, #tpu.memory_space<vmem_shared>>
    tpu.enqueue_indirect_dma source(%dma_start3A_17 : memref<10240x64xf32, #tpu.memory_space<vmem_shared>>) target(%arg10 : memref<200x64xf32, #tpu.memory_space<vmem>>) offsets(%dma_start3A_14 : memref<200xi32, #tpu.memory_space<vmem>>) semaphore(%arg14 : memref<!tpu.dma_semaphore, #tpu.memory_space<semaphore_mem>>)
    %scan3A = arith.constant 0 : i32
    %scan3A_18 = arith.constant 0 : i32
    %scan3A_19 = arith.constant 25 : i32
    %scan3A_20 = arith.addi %scan3A_18, %scan3A_19 : i32
    %scan3A_21 = arith.constant 1 : i32
    scf.for %scan3A_31 = %scan3A_18 to %scan3A_20 step %scan3A_21  : i32 {
      %mul3A_32 = arith.constant 2 : i32
      %mul3A_33 = arith.muli %mul3A_32, %scan3A_31 : i32
      %dma_wait3A = arith.constant 0 : i32
      %dma_wait3A_34 = arith.constant 0 : i32
      %dma_wait3A_35 = tpu.memref_slice %arg7[%dma_wait3A, %dma_wait3A_34] : memref<50x200xi32, #tpu.memory_space<vmem>> -> memref<1x200xi32, #tpu.memory_space<vmem>>
      %dma_wait3A_36 = tpu.memref_squeeze %dma_wait3A_35 : memref<1x200xi32, #tpu.memory_space<vmem>> -> memref<200xi32, #tpu.memory_space<vmem>>
      %dma_wait3A_37 = arith.constant 0 : i32
      %dma_wait3A_38 = arith.constant 0 : i32
      %dma_wait3A_39 = tpu.memref_slice %arg11[%dma_wait3A_37, %dma_wait3A_38] : memref<10240x64xf32, #tpu.memory_space<vmem_shared>> -> memref<10240x64xf32, #tpu.memory_space<vmem_shared>>
      tpu.wait_indirect_dma semaphore(%arg13 : memref<!tpu.dma_semaphore, #tpu.memory_space<semaphore_mem>>) src(%dma_wait3A_39 : memref<10240x64xf32, #tpu.memory_space<vmem_shared>>) dst(%arg9 : memref<200x64xf32, #tpu.memory_space<vmem>>)
      %dma_start3A_40 = arith.constant 0 : i32
      %dma_start3A_41 = tpu.memref_slice %arg8[%mul3A_33, %dma_start3A_40] : memref<50x200xi32, #tpu.memory_space<vmem>> -> memref<1x200xi32, #tpu.memory_space<vmem>>
      %dma_start3A_42 = tpu.memref_squeeze %dma_start3A_41 : memref<1x200xi32, #tpu.memory_space<vmem>> -> memref<200xi32, #tpu.memory_space<vmem>>
      %dma_start3A_43 = arith.constant 0 : i32
      %dma_start3A_44 = arith.constant 0 : i32
      %dma_start3A_45 = tpu.memref_slice %arg12[%dma_start3A_43, %dma_start3A_44] : memref<10240x64xf32, #tpu.memory_space<vmem_shared>> -> memref<10240x64xf32, #tpu.memory_space<vmem_shared>>
      tpu.enqueue_indirect_dma source(%arg9 : memref<200x64xf32, #tpu.memory_space<vmem>>) target(%dma_start3A_45 : memref<10240x64xf32, #tpu.memory_space<vmem_shared>>) offsets(%dma_start3A_42 : memref<200xi32, #tpu.memory_space<vmem>>) semaphore(%arg15 : memref<!tpu.dma_semaphore, #tpu.memory_space<semaphore_mem>>) {add = true}
      %dma_wait3A_46 = arith.constant 0 : i32
      %dma_wait3A_47 = arith.constant 0 : i32
      %dma_wait3A_48 = tpu.memref_slice %arg7[%dma_wait3A_46, %dma_wait3A_47] : memref<50x200xi32, #tpu.memory_space<vmem>> -> memref<1x200xi32, #tpu.memory_space<vmem>>
      %dma_wait3A_49 = tpu.memref_squeeze %dma_wait3A_48 : memref<1x200xi32, #tpu.memory_space<vmem>> -> memref<200xi32, #tpu.memory_space<vmem>>
      %dma_wait3A_50 = arith.constant 0 : i32
      %dma_wait3A_51 = arith.constant 0 : i32
      %dma_wait3A_52 = tpu.memref_slice %arg11[%dma_wait3A_50, %dma_wait3A_51] : memref<10240x64xf32, #tpu.memory_space<vmem_shared>> -> memref<10240x64xf32, #tpu.memory_space<vmem_shared>>
      tpu.wait_indirect_dma semaphore(%arg14 : memref<!tpu.dma_semaphore, #tpu.memory_space<semaphore_mem>>) src(%dma_wait3A_52 : memref<10240x64xf32, #tpu.memory_space<vmem_shared>>) dst(%arg10 : memref<200x64xf32, #tpu.memory_space<vmem>>)
      %add3A_53 = arith.constant 1 : i32
      %add3A_54 = arith.addi %mul3A_33, %add3A_53 : i32
      %dma_start3A_55 = arith.constant 0 : i32
      %dma_start3A_56 = tpu.memref_slice %arg8[%add3A_54, %dma_start3A_55] : memref<50x200xi32, #tpu.memory_space<vmem>> -> memref<1x200xi32, #tpu.memory_space<vmem>>
      %dma_start3A_57 = tpu.memref_squeeze %dma_start3A_56 : memref<1x200xi32, #tpu.memory_space<vmem>> -> memref<200xi32, #tpu.memory_space<vmem>>
      %dma_start3A_58 = arith.constant 0 : i32
      %dma_start3A_59 = arith.constant 0 : i32
      %dma_start3A_60 = tpu.memref_slice %arg12[%dma_start3A_58, %dma_start3A_59] : memref<10240x64xf32, #tpu.memory_space<vmem_shared>> -> memref<10240x64xf32, #tpu.memory_space<vmem_shared>>
      tpu.enqueue_indirect_dma source(%arg10 : memref<200x64xf32, #tpu.memory_space<vmem>>) target(%dma_start3A_60 : memref<10240x64xf32, #tpu.memory_space<vmem_shared>>) offsets(%dma_start3A_57 : memref<200xi32, #tpu.memory_space<vmem>>) semaphore(%arg16 : memref<!tpu.dma_semaphore, #tpu.memory_space<semaphore_mem>>) {add = true}
      %dma_wait3A_61 = arith.constant 0 : i32
      %dma_wait3A_62 = arith.constant 0 : i32
      %dma_wait3A_63 = tpu.memref_slice %arg8[%dma_wait3A_61, %dma_wait3A_62] : memref<50x200xi32, #tpu.memory_space<vmem>> -> memref<1x200xi32, #tpu.memory_space<vmem>>
      %dma_wait3A_64 = tpu.memref_squeeze %dma_wait3A_63 : memref<1x200xi32, #tpu.memory_space<vmem>> -> memref<200xi32, #tpu.memory_space<vmem>>
      %dma_wait3A_65 = arith.constant 0 : i32
      %dma_wait3A_66 = arith.constant 0 : i32
      %dma_wait3A_67 = tpu.memref_slice %arg12[%dma_wait3A_65, %dma_wait3A_66] : memref<10240x64xf32, #tpu.memory_space<vmem_shared>> -> memref<10240x64xf32, #tpu.memory_space<vmem_shared>>
      tpu.wait_indirect_dma semaphore(%arg15 : memref<!tpu.dma_semaphore, #tpu.memory_space<semaphore_mem>>) src(%arg9 : memref<200x64xf32, #tpu.memory_space<vmem>>) dst(%dma_wait3A_67 : memref<10240x64xf32, #tpu.memory_space<vmem_shared>>)
      %lt3A = arith.constant 24 : i32
      %lt3A_68 = arith.cmpi slt, %scan3A_31, %lt3A : i32
      %convert_element_type3A_69 = arith.extui %lt3A_68 : i1 to i32
      %cond3A_70 = arith.constant 0 : i32
      %cond3A_71 = arith.cmpi ne, %convert_element_type3A_69, %cond3A_70 : i32
      scf.if %cond3A_71 {
        %add3A_84 = arith.constant 2 : i32
        %add3A_85 = arith.addi %mul3A_33, %add3A_84 : i32
        %dma_start3A_86 = arith.constant 0 : i32
        %dma_start3A_87 = tpu.memref_slice %arg7[%add3A_85, %dma_start3A_86] : memref<50x200xi32, #tpu.memory_space<vmem>> -> memref<1x200xi32, #tpu.memory_space<vmem>>
        %dma_start3A_88 = tpu.memref_squeeze %dma_start3A_87 : memref<1x200xi32, #tpu.memory_space<vmem>> -> memref<200xi32, #tpu.memory_space<vmem>>
        %dma_start3A_89 = arith.constant 0 : i32
        %dma_start3A_90 = arith.constant 0 : i32
        %dma_start3A_91 = tpu.memref_slice %arg11[%dma_start3A_89, %dma_start3A_90] : memref<10240x64xf32, #tpu.memory_space<vmem_shared>> -> memref<10240x64xf32, #tpu.memory_space<vmem_shared>>
        tpu.enqueue_indirect_dma source(%dma_start3A_91 : memref<10240x64xf32, #tpu.memory_space<vmem_shared>>) target(%arg9 : memref<200x64xf32, #tpu.memory_space<vmem>>) offsets(%dma_start3A_88 : memref<200xi32, #tpu.memory_space<vmem>>) semaphore(%arg13 : memref<!tpu.dma_semaphore, #tpu.memory_space<semaphore_mem>>)
      } else {
      }
      %dma_wait3A_72 = arith.constant 0 : i32
      %dma_wait3A_73 = arith.constant 0 : i32
      %dma_wait3A_74 = tpu.memref_slice %arg8[%dma_wait3A_72, %dma_wait3A_73] : memref<50x200xi32, #tpu.memory_space<vmem>> -> memref<1x200xi32, #tpu.memory_space<vmem>>
      %dma_wait3A_75 = tpu.memref_squeeze %dma_wait3A_74 : memref<1x200xi32, #tpu.memory_space<vmem>> -> memref<200xi32, #tpu.memory_space<vmem>>
      %dma_wait3A_76 = arith.constant 0 : i32
      %dma_wait3A_77 = arith.constant 0 : i32
      %dma_wait3A_78 = tpu.memref_slice %arg12[%dma_wait3A_76, %dma_wait3A_77] : memref<10240x64xf32, #tpu.memory_space<vmem_shared>> -> memref<10240x64xf32, #tpu.memory_space<vmem_shared>>
      tpu.wait_indirect_dma semaphore(%arg16 : memref<!tpu.dma_semaphore, #tpu.memory_space<semaphore_mem>>) src(%arg10 : memref<200x64xf32, #tpu.memory_space<vmem>>) dst(%dma_wait3A_78 : memref<10240x64xf32, #tpu.memory_space<vmem_shared>>)
      %lt3A_79 = arith.constant 24 : i32
      %lt3A_80 = arith.cmpi slt, %scan3A_31, %lt3A_79 : i32
      %convert_element_type3A_81 = arith.extui %lt3A_80 : i1 to i32
      %cond3A_82 = arith.constant 0 : i32
      %cond3A_83 = arith.cmpi ne, %convert_element_type3A_81, %cond3A_82 : i32
      scf.if %cond3A_83 {
        %add3A_84 = arith.constant 3 : i32
        %add3A_85 = arith.addi %mul3A_33, %add3A_84 : i32
        %dma_start3A_86 = arith.constant 0 : i32
        %dma_start3A_87 = tpu.memref_slice %arg7[%add3A_85, %dma_start3A_86] : memref<50x200xi32, #tpu.memory_space<vmem>> -> memref<1x200xi32, #tpu.memory_space<vmem>>
        %dma_start3A_88 = tpu.memref_squeeze %dma_start3A_87 : memref<1x200xi32, #tpu.memory_space<vmem>> -> memref<200xi32, #tpu.memory_space<vmem>>
        %dma_start3A_89 = arith.constant 0 : i32
        %dma_start3A_90 = arith.constant 0 : i32
        %dma_start3A_91 = tpu.memref_slice %arg11[%dma_start3A_89, %dma_start3A_90] : memref<10240x64xf32, #tpu.memory_space<vmem_shared>> -> memref<10240x64xf32, #tpu.memory_space<vmem_shared>>
        tpu.enqueue_indirect_dma source(%dma_start3A_91 : memref<10240x64xf32, #tpu.memory_space<vmem_shared>>) target(%arg10 : memref<200x64xf32, #tpu.memory_space<vmem>>) offsets(%dma_start3A_88 : memref<200xi32, #tpu.memory_space<vmem>>) semaphore(%arg14 : memref<!tpu.dma_semaphore, #tpu.memory_space<semaphore_mem>>)
      } else {
      }
    }
    %scan3A_22 = arith.constant 25 : i32
    %barrier3A_23 = arith.constant 0 : index
    tpu.barrier barrier_id(%barrier3A_23)
    %eq3A = arith.constant 0 : i32
    %eq3A_24 = arith.cmpi eq, %arg0, %eq3A : i32
    %convert_element_type3A = arith.extui %eq3A_24 : i1 to i32
    %cond3A = arith.constant 0 : i32
    %cond3A_25 = arith.cmpi ne, %convert_element_type3A, %cond3A : i32
    scf.if %cond3A_25 {
      "tpu.region"() ({
        %run_scoped3A = tpu.sem_alloc : memref<!tpu.dma_semaphore, #tpu.memory_space<semaphore_mem>>
        %dma_start3A_31 = arith.constant 0 : i32
        %dma_start3A_32 = tpu.memref_slice %arg5[%mul3A_2, %dma_start3A_31] : memref<10240x128xf32, #tpu.memory_space<hbm>> -> memref<640x64xf32, #tpu.memory_space<hbm>>
        %dma_start3A_33 = arith.constant 0 : i32
        %dma_start3A_34 = tpu.memref_slice %arg12[%mul3A_2, %dma_start3A_33] : memref<10240x64xf32, #tpu.memory_space<vmem_shared>> -> memref<640x64xf32, #tpu.memory_space<vmem_shared>>
        tpu.enqueue_dma source(%dma_start3A_34 : memref<640x64xf32, #tpu.memory_space<vmem_shared>>) target(%dma_start3A_32 : memref<640x64xf32, #tpu.memory_space<hbm>>) target_semaphore(%run_scoped3A : memref<!tpu.dma_semaphore, #tpu.memory_space<semaphore_mem>>)
        %dma_wait3A = arith.constant 0 : i32
        %dma_wait3A_35 = tpu.memref_slice %arg5[%mul3A_2, %dma_wait3A] : memref<10240x128xf32, #tpu.memory_space<hbm>> -> memref<640x64xf32, #tpu.memory_space<hbm>>
        %dma_wait3A_36 = arith.constant 0 : i32
        %dma_wait3A_37 = tpu.memref_slice %arg12[%mul3A_2, %dma_wait3A_36] : memref<10240x64xf32, #tpu.memory_space<vmem_shared>> -> memref<640x64xf32, #tpu.memory_space<vmem_shared>>
        tpu.wait_dma2 semaphore(%run_scoped3A : memref<!tpu.dma_semaphore, #tpu.memory_space<semaphore_mem>>) src(%dma_wait3A_37 : memref<640x64xf32, #tpu.memory_space<vmem_shared>>) dst(%dma_wait3A_35 : memref<640x64xf32, #tpu.memory_space<hbm>>)
        tpu.yield
      }) : () -> ()
    } else {
    }
    %eq3A_26 = arith.constant 1 : i32
    %eq3A_27 = arith.cmpi eq, %arg0, %eq3A_26 : i32
    %convert_element_type3A_28 = arith.extui %eq3A_27 : i1 to i32
    %cond3A_29 = arith.constant 0 : i32
    %cond3A_30 = arith.cmpi ne, %convert_element_type3A_28, %cond3A_29 : i32
    scf.if %cond3A_30 {
      "tpu.region"() ({
        %run_scoped3A = tpu.sem_alloc : memref<!tpu.dma_semaphore, #tpu.memory_space<semaphore_mem>>
        %dma_start3A_31 = arith.constant 0 : i32
        %dma_start3A_32 = tpu.memref_slice %arg6[%mul3A_2, %dma_start3A_31] : memref<10240x128xf32, #tpu.memory_space<hbm>> -> memref<640x64xf32, #tpu.memory_space<hbm>>
        %dma_start3A_33 = arith.constant 0 : i32
        %dma_start3A_34 = tpu.memref_slice %arg12[%mul3A_2, %dma_start3A_33] : memref<10240x64xf32, #tpu.memory_space<vmem_shared>> -> memref<640x64xf32, #tpu.memory_space<vmem_shared>>
        tpu.enqueue_dma source(%dma_start3A_34 : memref<640x64xf32, #tpu.memory_space<vmem_shared>>) target(%dma_start3A_32 : memref<640x64xf32, #tpu.memory_space<hbm>>) target_semaphore(%run_scoped3A : memref<!tpu.dma_semaphore, #tpu.memory_space<semaphore_mem>>)
        %dma_wait3A = arith.constant 0 : i32
        %dma_wait3A_35 = tpu.memref_slice %arg6[%mul3A_2, %dma_wait3A] : memref<10240x128xf32, #tpu.memory_space<hbm>> -> memref<640x64xf32, #tpu.memory_space<hbm>>
        %dma_wait3A_36 = arith.constant 0 : i32
        %dma_wait3A_37 = tpu.memref_slice %arg12[%mul3A_2, %dma_wait3A_36] : memref<10240x64xf32, #tpu.memory_space<vmem_shared>> -> memref<640x64xf32, #tpu.memory_space<vmem_shared>>
        tpu.wait_dma2 semaphore(%run_scoped3A : memref<!tpu.dma_semaphore, #tpu.memory_space<semaphore_mem>>) src(%dma_wait3A_37 : memref<640x64xf32, #tpu.memory_space<vmem_shared>>) dst(%dma_wait3A_35 : memref<640x64xf32, #tpu.memory_space<hbm>>)
        tpu.yield
      }) : () -> ()
    } else {
    }
    return
  }
}

module attributes {stable_mosaic.version = 14 : i64} {
  func.func @body(%arg0: i32, %arg1: memref<2048x128xf32, #tpu.memory_space<vmem>>, %arg2: memref<2048x4xf32, #tpu.memory_space<vmem>>, %arg3: memref<128x128xf32, #tpu.memory_space<vmem>>, %arg4: memref<2048x128xf32, #tpu.memory_space<vmem>>, %arg5: memref<2048x1xf32, #tpu.memory_space<vmem>>) attributes {dimension_semantics = [#tpu.dimension_semantics<arbitrary>], iteration_bounds = array<i64: 5>, scalar_prefetch = 0 : i64, scratch_operands = 0 : i64, tpu.core_type = #tpu.core_type<tc>, window_params = [{transform_indices = @transform_0, window_bounds = array<i64: 2048, 128>}, {transform_indices = @transform_1, window_bounds = array<i64: 2048, 4>}, {pipeline_mode = #tpu.pipeline_mode<synchronous>, transform_indices = @transform_2, window_bounds = array<i64: 128, 128>}, {transform_indices = @transform_3, window_bounds = array<i64: 2048, 128>}, {transform_indices = @transform_4, window_bounds = array<i64: 2048, 1>}]} {
    %get3A = arith.constant 0 : index
    %get3A_0 = arith.constant 0 : index
    %get3A_1 = vector.load %arg2[%get3A, %get3A_0] : memref<2048x4xf32, #tpu.memory_space<vmem>>, vector<2048x1xf32>
    %get3A_2 = arith.constant 0 : index
    %get3A_3 = arith.constant 2 : index
    %get3A_4 = vector.load %arg2[%get3A_2, %get3A_3] : memref<2048x4xf32, #tpu.memory_space<vmem>>, vector<2048x1xf32>
    %add3A = arith.addf %get3A_1, %get3A_4 : vector<2048x1xf32>
    %get3A_5 = arith.constant 0 : index
    %get3A_6 = arith.constant 1 : index
    %get3A_7 = vector.load %arg2[%get3A_5, %get3A_6] : memref<2048x4xf32, #tpu.memory_space<vmem>>, vector<2048x1xf32>
    %get3A_8 = arith.constant 0 : index
    %get3A_9 = arith.constant 3 : index
    %get3A_10 = vector.load %arg2[%get3A_8, %get3A_9] : memref<2048x4xf32, #tpu.memory_space<vmem>>, vector<2048x1xf32>
    %add3A_11 = arith.addf %get3A_7, %get3A_10 : vector<2048x1xf32>
    %max3A = arith.constant 1.000000e+00 : f32
    %max3A_12 = vector.broadcast %max3A : f32 to vector<2048x1xf32>
    %max3A_13 = arith.maximumf %add3A, %max3A_12 : vector<2048x1xf32>
    %rsqrt3A = math.rsqrt %max3A_13 : vector<2048x1xf32>
    %max3A_14 = arith.constant 1.000000e+00 : f32
    %max3A_15 = vector.broadcast %max3A_14 : f32 to vector<2048x1xf32>
    %max3A_16 = arith.maximumf %add3A_11, %max3A_15 : vector<2048x1xf32>
    %rsqrt3A_17 = math.rsqrt %max3A_16 : vector<2048x1xf32>
    %swap3A = arith.constant 0 : index
    %swap3A_18 = arith.constant 0 : index
    %swap3A_19 = vector.load %arg5[%swap3A, %swap3A_18] : memref<2048x1xf32, #tpu.memory_space<vmem>>, vector<2048x1xf32>
    tpu.vector_store %arg5[%swap3A, %swap3A_18], %rsqrt3A_17 {strides = array<i32>} : memref<2048x1xf32, #tpu.memory_space<vmem>>, vector<2048x1xf32>,
    %get3A_20 = arith.constant 0 : index
    %get3A_21 = arith.constant 0 : index
    %get3A_22 = vector.load %arg1[%get3A_20, %get3A_21] : memref<2048x128xf32, #tpu.memory_space<vmem>>, vector<2048x128xf32>
    %mul3A = vector.broadcast %rsqrt3A : vector<2048x1xf32> to vector<2048x128xf32>
    %mul3A_23 = arith.mulf %get3A_22, %mul3A : vector<2048x128xf32>
    %get3A_24 = arith.constant 0 : index
    %get3A_25 = arith.constant 0 : index
    %get3A_26 = vector.load %arg3[%get3A_24, %get3A_25] : memref<128x128xf32, #tpu.memory_space<vmem>>, vector<128x128xf32>
    %dot_general3A = arith.constant dense<0.000000e+00> : vector<2048x128xf32>
    %dot_general3A_27 = tpu.matmul %mul3A_23, %get3A_26, %dot_general3A {dimension_numbers = #tpu.dot_dimension_numbers<[1], [0], [0], [1], [0, 0, 1, 1], [], []>, transpose_lhs_hint = false} : vector<2048x128xf32>, vector<128x128xf32>, vector<2048x128xf32> -> vector<2048x128xf32>
    %swap3A_28 = arith.constant 0 : index
    %swap3A_29 = arith.constant 0 : index
    %swap3A_30 = vector.load %arg4[%swap3A_28, %swap3A_29] : memref<2048x128xf32, #tpu.memory_space<vmem>>, vector<2048x128xf32>
    tpu.vector_store %arg4[%swap3A_28, %swap3A_29], %dot_general3A_27 {strides = array<i32>} : memref<2048x128xf32, #tpu.memory_space<vmem>>, vector<2048x128xf32>,
    return
  }
  func.func @transform_0(%arg0: i32) -> (i32, i32) {
    %c0_i32 = arith.constant 0 : i32
    %c0_i32_0 = arith.constant 0 : i32
    return %arg0, %c0_i32 : i32, i32
  }
  func.func @transform_1(%arg0: i32) -> (i32, i32) {
    %c0_i32 = arith.constant 0 : i32
    %c0_i32_0 = arith.constant 0 : i32
    return %arg0, %c0_i32 : i32, i32
  }
  func.func @transform_2(%arg0: i32) -> (i32, i32) {
    %c0_i32 = arith.constant 0 : i32
    %c0_i32_0 = arith.constant 0 : i32
    %c0_i32_1 = arith.constant 0 : i32
    return %c0_i32, %c0_i32_0 : i32, i32
  }
  func.func @transform_3(%arg0: i32) -> (i32, i32) {
    %c0_i32 = arith.constant 0 : i32
    %c0_i32_0 = arith.constant 0 : i32
    return %arg0, %c0_i32 : i32, i32
  }
  func.func @transform_4(%arg0: i32) -> (i32, i32) {
    %c0_i32 = arith.constant 0 : i32
    %c0_i32_0 = arith.constant 0 : i32
    return %arg0, %c0_i32 : i32, i32
  }
}

module attributes {stable_mosaic.version = 14 : i64} {
  func.func @body(%arg0: i32, %arg1: memref<2048x128xf32, #tpu.memory_space<vmem>>, %arg2: memref<2048x128xf32, #tpu.memory_space<vmem>>, %arg3: memref<2048x1xf32, #tpu.memory_space<vmem>>, %arg4: memref<1x64xf32, #tpu.memory_space<vmem>>, %arg5: memref<64x2048xf32, #tpu.memory_space<vmem>>) attributes {dimension_semantics = [#tpu.dimension_semantics<arbitrary>], iteration_bounds = array<i64: 5>, scalar_prefetch = 0 : i64, scratch_operands = 0 : i64, tpu.core_type = #tpu.core_type<tc>, window_params = [{transform_indices = @transform_0, window_bounds = array<i64: 2048, 128>}, {transform_indices = @transform_1, window_bounds = array<i64: 2048, 128>}, {transform_indices = @transform_2, window_bounds = array<i64: 2048, 1>}, {pipeline_mode = #tpu.pipeline_mode<synchronous>, transform_indices = @transform_3, window_bounds = array<i64: 1, 64>}, {transform_indices = @transform_4, window_bounds = array<i64: 64, 2048>}]} {
    %get3A = arith.constant 0 : index
    %get3A_0 = arith.constant 0 : index
    %get3A_1 = vector.load %arg1[%get3A, %get3A_0] : memref<2048x128xf32, #tpu.memory_space<vmem>>, vector<2048x64xf32>
    %get3A_2 = arith.constant 0 : index
    %get3A_3 = arith.constant 0 : index
    %get3A_4 = vector.load %arg2[%get3A_2, %get3A_3] : memref<2048x128xf32, #tpu.memory_space<vmem>>, vector<2048x64xf32>
    %add3A = arith.addf %get3A_1, %get3A_4 : vector<2048x64xf32>
    %get3A_5 = arith.constant 0 : index
    %get3A_6 = arith.constant 0 : index
    %get3A_7 = vector.load %arg3[%get3A_5, %get3A_6] : memref<2048x1xf32, #tpu.memory_space<vmem>>, vector<2048x1xf32>
    %mul3A = vector.broadcast %get3A_7 : vector<2048x1xf32> to vector<2048x64xf32>
    %mul3A_8 = arith.mulf %add3A, %mul3A : vector<2048x64xf32>
    %get3A_9 = arith.constant 0 : index
    %get3A_10 = arith.constant 0 : index
    %get3A_11 = vector.load %arg4[%get3A_9, %get3A_10] : memref<1x64xf32, #tpu.memory_space<vmem>>, vector<1x64xf32>
    %add3A_12 = vector.broadcast %get3A_11 : vector<1x64xf32> to vector<2048x64xf32>
    %add3A_13 = arith.addf %mul3A_8, %add3A_12 : vector<2048x64xf32>
    %max3A = arith.constant 0.000000e+00 : f32
    %max3A_14 = vector.broadcast %max3A : f32 to vector<2048x64xf32>
    %max3A_15 = arith.maximumf %add3A_13, %max3A_14 : vector<2048x64xf32>
    %transpose3A = tpu.transpose %max3A_15, [1, 0] : vector<2048x64xf32> -> vector<64x2048xf32>
    %swap3A = arith.constant 0 : index
    %swap3A_16 = arith.constant 0 : index
    %swap3A_17 = vector.load %arg5[%swap3A, %swap3A_16] : memref<64x2048xf32, #tpu.memory_space<vmem>>, vector<64x2048xf32>
    tpu.vector_store %arg5[%swap3A, %swap3A_16], %transpose3A {strides = array<i32>} : memref<64x2048xf32, #tpu.memory_space<vmem>>, vector<64x2048xf32>,
    return
  }
  func.func @transform_0(%arg0: i32) -> (i32, i32) {
    %c0_i32 = arith.constant 0 : i32
    %c0_i32_0 = arith.constant 0 : i32
    return %arg0, %c0_i32 : i32, i32
  }
  func.func @transform_1(%arg0: i32) -> (i32, i32) {
    %c0_i32 = arith.constant 0 : i32
    %c0_i32_0 = arith.constant 0 : i32
    return %arg0, %c0_i32 : i32, i32
  }
  func.func @transform_2(%arg0: i32) -> (i32, i32) {
    %c0_i32 = arith.constant 0 : i32
    %c0_i32_0 = arith.constant 0 : i32
    return %arg0, %c0_i32 : i32, i32
  }
  func.func @transform_3(%arg0: i32) -> (i32, i32) {
    %c0_i32 = arith.constant 0 : i32
    %c0_i32_0 = arith.constant 0 : i32
    %c0_i32_1 = arith.constant 0 : i32
    return %c0_i32, %c0_i32_0 : i32, i32
  }
  func.func @transform_4(%arg0: i32) -> (i32, i32) {
    %c0_i32 = arith.constant 0 : i32
    %c0_i32_0 = arith.constant 0 : i32
    return %c0_i32, %arg0 : i32, i32
  }
}

</mosaic_0001>

<sc_bundles>
// kernel: kernel.6.cloned.1.call-start
scs
__scs_entry_jumppad:
0x0: {  	(pc) =	sbr.rel $0x88, $3  }
0x1: {  	(tag) =	ssettag $0x0;
	lr =	simm.s32 $0x1  }
0x2: {  	[smem:$0x3F9D] =	sst lr;
	_ =	strace $0xD0000000  }
0x3: {  	_ = 	snop  }
0x4: {  	_ = 	snop  }
0x5: {  	_ = 	snop  }
0x6: {  	_ = 	snop  }
0x7: {  	_ = 	snop  }
__scs_overlays_trampoline_lowered:
0x8: {  	[smem:$0x3FAC] =	sst s0  }
0x9: {  	[smem:$0x3FAD] =	sst s1  }
0xa: {  	[smem:$0x3FAE] =	sst s2  }
0xb: {  	[smem:$0x3FAF] =	sst s3  }
0xc: {  	[smem:$0x3FB0] =	sst s4  }
0xd: {  	[smem:$0x3FB1] =	sst s5  }
0xe: {  	[smem:$0x3FB2] =	sst s6  }
0xf: {  	[smem:$0x3FB3] =	sst s7  }
0x10: {  	[smem:$0x3FB4] =	sst s8  }
0x11: {  	[smem:$0x3FB5] =	sst s9;
	s0 =	simm.s32 @!p0 $0x0  }
0x12: {  	s1 =	sld [smem:$0x3F9B];
	s0 =	simm.s32 @p0 $0x1  }
0x13: {  	[smem:$0x3FB6] =	sst s0;
	s0 =	simm.s32 @!p1 $0x0  }
0x14: {  	s2 =	sld [smem:$0x3F9A];
	s0 =	simm.s32 @p1 $0x1  }
0x15: {  	[smem:$0x3FB7] =	sst s0;
	s0 =	simm.s32 @!p2 $0x0  }
0x16: {  	s3 =	sld [smem:$0x3FDB];
	s0 =	simm.s32 @p2 $0x1  }
0x17: {  	s4 =	simm.s32 $0x1BF5;
	[smem:$0x3FB9] =	sst s0  }
0x18: {  	s0 =	sld [smem:$0x3F9C];
	_ =	swait.ge [sflag:s4], $0x0  }
0x19: {  	s7 =	sld [smem:$0x3F9D]  }
0x1a: {  	s8 =	sadd.s32 $0xFFFFE003, lr  }
0x1b: {  	s9 =	sadd.s32 $0xFFFFFEF7, lr;
	s5 =	simm.s32 $0xFFFFFFFF;
	p2 =	slt.u32 s8, $0xFFFFF086  }
0x1c: {  	p1 =	slt.u32 s9, $0xF7A;
	s5 =	simm.s32 @!p2 $0x0  }
0x1d: {  	s5 =	simm.s32 @p1 $0x1;
	p0 =	seq.s32 s7, s2  }
0x1e: {  	s7 =	smul.u32 @!p0 $0xF7A, s2;
	p2 =	seq.s32 @!p0 s5, $0x0  }
0x1f: {  	s9 =	smul.u32 $0xF7A, s1;
	s8 =	simm.s32 @!p0 $0x1BF5;
	p2 =	por !p2, p0  }
0x20: {  	[sflag:s8] =	ssyncset.s32 @!p0 $0xFFFFF086;
	s6 =	sadd.s32 @!p0 s3, s7;
	s7 =	simm.s32 @!p0 $0x108  }
0x21: {  	s3 =	sadd.s32 s3, s9;
	s6 =	sadd.s32 @!p0 $0x88, s6;
	s7 =	simm.s32 @p2 $0x1082  }
0x22: {  	[simem:s7], [sflag:s8] =	dma.local @!p0 [hbm:s6], $0xF7A  }
0x23: {  	s9 =	sor.u32 $0xD0000000, s2;
	s6 =	simm.s32 $0x108;
	_ =	swait.ge @!p0 [sflag:s8], $0x0  }
0x24: {  	s3 =	sadd.s32 $0x88, s3;
	s6 =	simm.s32 @!p1 $0x1082;
	[sflag:s4] =	ssyncset.s32 $0xFFFFF086  }
0x25: {  	[simem:s6], [sflag:s4] =	dma.local [hbm:s3], $0xF7A  }
0x26: {  	[smem:$0x3F9D] =	sst s1;
	(tag) =	ssettag s2;
	_ =	strace s9  }
0x27: {  	s1 =	sld [smem:$0x3FAD]  }
0x28: {  	s2 =	sld [smem:$0x3FAE]  }
0x29: {  	s4 =	sld [smem:$0x3FB0]  }
0x2a: {  	p0 =	seq.s32 s5, $0x0;
	s5 =	sld [smem:$0x3FB1]  }
0x2b: {  	s6 =	sld [smem:$0x3FB2]  }
0x2c: {  	s7 =	sld [smem:$0x3FB3]  }
0x2d: {  	s3 =	simm.s32 $0x108;
	s8 =	sld [smem:$0x3FB4]  }
0x2e: {  	s3 =	simm.s32 @!p0 $0x1082;
	s9 =	sld [smem:$0x3FB5]  }
0x2f: {  	lr =	sadd.s32 s0, s3;
	s0 =	sld [smem:$0x3FAC]  }
0x30: {  	s3 =	sld [smem:$0x3FAF]  }
0x31: {  	[smem:$0x3FB8] =	sst s10  }
0x32: {  	s10 =	sld [smem:$0x3FB6];
	_ =	sdelay $0x3  }
0x33: {  	p0 =	seq.s32 s10, $0x1;
	s10 =	sld [smem:$0x3FB8];
	_ =	sdelay $0x3  }
0x34: {  	[smem:$0x3FB8] =	sst s10  }
0x35: {  	s10 =	sld [smem:$0x3FB7];
	_ =	sdelay $0x3  }
0x36: {  	p1 =	seq.s32 s10, $0x1;
	s10 =	sld [smem:$0x3FB8];
	_ =	sdelay $0x3  }
0x37: {  	[smem:$0x3FB8] =	sst s10  }
0x38: {  	s10 =	sld [smem:$0x3FB9]  }
0x39: {  	_ = 	snop;
	(pc) =	sbr.ind lr, $3  }
0x3a: {  	_ = 	snop  }
0x3b: {  	_ = 	snop  }
0x3c: {  	p2 =	seq.s32 s10, $0x1;
	s10 =	sld [smem:$0x3FB8]  }
0x3d: {  	_ =	shalt  }
0x3e: {  	_ =	shalt  }
0x3f: {  	_ =	shalt  }
0x40: {  	_ =	shalt  }
0x41: {  	_ =	shalt  }
0x42: {  	_ =	shalt  }
0x43: {  	_ =	shalt  }
0x44: {  	_ =	shalt  }
0x45: {  	_ =	shalt  }
0x46: {  	_ =	shalt  }
0x47: {  	_ =	shalt  }
0x48: {  	_ =	shalt  }
0x49: {  	_ =	shalt  }
0x4a: {  	_ =	shalt  }
0x4b: {  	_ =	shalt  }
0x4c: {  	_ =	shalt  }
0x4d: {  	_ =	shalt  }
0x4e: {  	_ =	shalt  }
0x4f: {  	_ =	shalt  }
0x50: {  	_ =	shalt  }
0x51: {  	_ =	shalt  }
0x52: {  	_ =	shalt  }
0x53: {  	_ =	shalt  }
0x54: {  	_ =	shalt  }
0x55: {  	_ =	shalt  }
0x56: {  	_ =	shalt  }
0x57: {  	_ =	shalt  }
0x58: {  	_ =	shalt  }
0x59: {  	_ =	shalt  }
0x5a: {  	_ =	shalt  }
0x5b: {  	_ =	shalt  }
0x5c: {  	_ =	shalt  }
0x5d: {  	_ =	shalt  }
0x5e: {  	_ =	shalt  }
0x5f: {  	_ =	shalt  }
0x60: {  	_ =	shalt  }
0x61: {  	_ =	shalt  }
0x62: {  	_ =	shalt  }
0x63: {  	_ =	shalt  }
0x64: {  	_ =	shalt  }
0x65: {  	_ =	shalt  }
0x66: {  	_ =	shalt  }
0x67: {  	_ =	shalt  }
0x68: {  	_ =	shalt  }
0x69: {  	_ =	shalt  }
0x6a: {  	_ =	shalt  }
0x6b: {  	_ =	shalt  }
0x6c: {  	_ =	shalt  }
0x6d: {  	_ =	shalt  }
0x6e: {  	_ =	shalt  }
0x6f: {  	_ =	shalt  }
0x70: {  	_ =	shalt  }
0x71: {  	_ =	shalt  }
0x72: {  	_ =	shalt  }
0x73: {  	_ =	shalt  }
0x74: {  	_ =	shalt  }
0x75: {  	_ =	shalt  }
0x76: {  	_ =	shalt  }
0x77: {  	_ =	shalt  }
0x78: {  	_ =	shalt  }
0x79: {  	_ =	shalt  }
0x7a: {  	_ =	shalt  }
0x7b: {  	_ =	shalt  }
0x7c: {  	_ =	shalt  }
0x7d: {  	_ =	shalt  }
0x7e: {  	_ =	shalt  }
0x7f: {  	_ =	shalt  }
0x80: {  	_ =	shalt  }
0x81: {  	_ =	shalt  }
0x82: {  	_ =	shalt  }
0x83: {  	_ =	shalt  }
0x84: {  	_ =	shalt  }
0x85: {  	_ =	shalt  }
0x86: {  	_ =	shalt  }
0x87: {  	_ =	shalt  }
.Lfunc_end0:
.L_simem_size_0:
called_computation_lowered:
.L_overlay_start_0:
0x88: {  	s2 =	sld [smem:$0x3FD9]  }
0x89: {  	s3 =	sld [smem:$0x3FFE];
	_ =	sdelay $0x1  }
0x8a: {  	s1 =	srdreg.scid  }
0x8b: {  	s0 =	sand.u32 $0x1, s1  }
0x8c: {  	s17 =	sshll.u32 s0, $0xA;
	s2 =	sadd.s32 s3, s2  }
0x8d: {  	s2 =	sadd.s32 s2, s17  }
0x8e: {  	[smem:$0x3FC4] =	sst s2  }
0x8f: {  	_ = 	snop  }
0x90: {  	s2 =	sld [smem:$0x3FD0];
	(tm) =	ssettm $0x1  }
0x91: {  	s18 =	sld [smem:$0x3FFB];
	_ =	sdelay $0x3  }
0x92: {  	_ =	strace s18  }
0x93: {  	s3 =	sld [smem:$0x3FFC];
	_ =	sdelay $0x3  }
0x94: {  	_ =	strace s3  }
0x95: {  	s3 =	sld [smem:$0x3FFD];
	_ =	sdelay $0x3  }
0x96: {  	_ =	strace s3  }
0x97: {  	_ =	strace $0x8FFFFFFF  }
0x98: {  	s19 =	sld [smem:$0x3FDB];
	_ =	sdelay $0x1  }
0x99: {  	s4 =	simm.s32 $_scs_section_size  }
0x9a: {  	s5 =	simm.s32 $_size__tile_overlayer_lowered;
	s6 =	simm.s32 $_tile_overlayer_lowered  }
0x9b: {  	s22 =	simm.s32 $0x1BFF;
	s21 =	sshll.u32 s6, $0x1;
	s3 =	sadd.s32 s4, s19  }
0x9c: {  	s7 =	simm.s32 $0x0;
	s20 =	sshll.u32 s5, $0x1;
	s5 =	sadd.s32 s21, s3  }
0x9d: {  	[timem:s7], [sflag:s22] =	dma.local [hbm:s5], s20  }
0x9e: {  	_ =	swait.ge [sflag:s22], s20  }
0x9f: {  	s4 =	ssub.s32 $0x0, s20;
	[sflag:s22] =	ssyncset.done $0x0  }
0xa0: {  	[sflag:s22] =	ssyncadd.s32 s4;
	_ =	sdelay $0x1  }
0xa1: {  	s23 =	simm.s32 $0x1B8B  }
0xa2: {  	_ =	swait.ge [sflag:s23], $0x1  }
0xa3: {  	[sflag:s23] =	ssyncset.done $0x0  }
0xa4: {  	s25 =	simm.s32 $0x1B8E;
	s24 =	sld [smem:$0x3FFE];
	[sflag:s23] =	ssyncadd.s32 $0xFFFFFFFF  }
0xa5: {  	s26 =	simm.s32 $execute0_lowered;
	[smem:$0x3FD2] =	sst s25  }
0xa6: {  	s5 =	sshll.u32 s26, $0x1;
	_ =	strace $0x80000046;
	[dreg:$0x1] =	wrdreg $0xFFFFFFFF  }
0xa7: {  	s28 =	simm.s32 $_size_execute0_lowered;
	s3 =	sadd.s32 s3, s5;
	[dreg:$0x0] =	wrdreg $0x0  }
0xa8: {  	s5 =	sshll.u32 s28, $0x1;
	[dreg:$0x2] =	wrdreg s3  }
0xa9: {  	[dreg:$0x3] =	wrdreg s5  }
0xaa: {  	[dreg:$0x4] =	wrdreg $0xC0  }
0xab: {  	_ =	task [dreg:s7], $0x5FFFF  }
0xac: {  	[dreg:$0x1] =	wrdreg $0xFFFFFFFF  }
0xad: {  	[dreg:$0x0] =	wrdreg $0x60  }
0xae: {  	[dreg:$0x2] =	wrdreg s2  }
0xaf: {  	[dreg:$0x3] =	wrdreg s24  }
0xb0: {  	[dreg:$0x4] =	wrdreg $0x77B00  }
0xb1: {  	[dreg:$0x5] =	wrdreg $0x7A300  }
0xb2: {  	[dreg:$0x6] =	wrdreg $0x9  }
0xb3: {  	_ =	task.clear_ibuf [dreg:s7], $0x7FFFF;
	_ =	strace $0x90000046  }
0xb4: {  	s29 =	simm.s32 $0x9;
	_ =	strace $0x80000048  }
0xb5: {  	_ =	swait.ge [sflag:s29], $0x1  }
0xb6: {  	[sflag:s29] =	ssyncadd.s32 $0xFFFFFFFF  }
0xb7: {  	_ =	strace $0x90000048  }
0xb8: {  	_ =	sfence  }
0xb9: {  	s30 =	sld [smem:$0x0];
	_ =	sdelay $0x2  }
0xba: {  	s31 =	sshll.u32 s1, $0xD;
	s1 =	sshrl.u32 s1, $0x2  }
0xbb: {  	s3 =	sand.u32 $0x4000, s31;
	s1 =	sadd.s32 s1, s30  }
0xbc: {  	s0 =	sor.u32 s3, s0;
	s1 =	sshll.u32 s1, $0x11  }
0xbd: {  	s0 =	sor.u32 s1, s0  }
0xbe: {  	s0 =	sadd.s32 $0x8F2B, s0  }
0xbf: {  	[sflag:s0] =	ssyncadd.remote.s32 $0x1  }
0xc0: {  	_ =	sfence.sel $0xFFFF  }
0xc1: {  	[dreg:$0x0] =	wrdreg $0xFFFFFFFF;
	(pc) =	sbr.abs _section_cstart, $3  }
0xc2: {  	[dreg:$0x1] =	wrdreg $0xFFFFFFFF  }
0xc3: {  	_ =	task.clear_ibuf [dreg:s7], $0x2FFFF;
	_ =	strace $0x9FFFFFFF  }
0xc4: {  	(tm) =	ssettm $0x7FFFFFFF  }
0xc5: {  	_ =	shalt  }
tec
execute0_lowered:
.L_overlay_start_1:
0x0: {  	(tag) =	ssettag $0x1  }
0x1: {  	s8 =	rddreg [dreg:$0x0]  }
0x2: {  	s5 =	rddreg [dreg:$0x1]  }
0x3: {  	s2 =	rddreg [dreg:$0x2]  }
0x4: {  	s3 =	rddreg [dreg:$0x3];
	s4 =	srdreg.scid  }
0x5: {  	s1 =	stileid.u32;
	s0 =	rddreg [dreg:$0x4];
	s15 =	simm.s32 $0x4E20  }
0x6: {  	s16 =	simm.s32 $0x2710;
	s17 =	simm.s32 $0xC8;
	s18 =	simm.s32 $0x1  }
0x7: {  	s19 =	simm.s32 $0x0;
	s6 =	sand.u32 $0x1, s4;
	s7 =	smul.u32 $0x280, s1  }
0x8: {  	s4 =	simm.s32 $0x0;
	s9 =	sshll.u32 s6, $0x4;
	s10 =	smul.u32 $0x5000, s6  }
0x9: {  	[smem:$0x7FF] =	sst s4;
	s6 =	ssub.s32 $0x2, s6;
	s9 =	sor.u32 s1, s9  }
0xa: {  	_ =	strace $0x80000047;
	s31 =	sshrl.u32 s6, $0x1;
	s11 =	smul.u32 $0x4E2, s9  }
0xb: {  	s10 =	sadd.s32 s7, s10;
	s9 =	smul.u32 $0x2710, s9;
	s14 =	ssub.s32 s6, s31  }
0xc: {  	s6 =	sadd.s32 s7, s3;
	s10 =	sshrl.u32 s10, $0x3;
	s12 =	sadd.s32 s11, s5  }
0xd: {  	s13 =	sadd.s32 s10, s5;
	s5 =	sadd.s32 s7, s2;
	s9 =	sshrl.u32 s9, $0x3  }
0xe: {  	s7 =	sadd.s32 $0x2000, s12;
	s9 =	sadd.s32 s8, s9;
	s8 =	sadd.s32 s8, s11  }
0xf: {  	s10 =	sadd.s32 $0xBE00, s13;
	s11 =	sadd.s32 $0xC300, s13;
	s12 =	smax.u32 s14, $0x1  }
0x10: {  	v0 =	vimm.f32 $0.0e+00;
	s13 =	simm.s32 $0x7530;
	s14 =	simm.s32 $0x2;
	s9 =	sadd.s32 $0x9C40, s9  }
.LBB2_1:
0x11: {  	[tilespmem:$0x7530] =	vst v0  }
0x12: {  	[tilespmem:$0x7540] =	vst v0  }
0x13: {  	[tilespmem:$0x7550] =	vst v0  }
0x14: {  	[tilespmem:$0x7560] =	vst v0  }
0x15: {  	[tilespmem:$0x7570] =	vst v0  }
0x16: {  	[tilespmem:$0x7580] =	vst v0  }
0x17: {  	[tilespmem:$0x7590] =	vst v0  }
0x18: {  	[tilespmem:$0x75A0] =	vst v0  }
0x19: {  	[tilespmem:$0x75B0] =	vst v0  }
0x1a: {  	[tilespmem:$0x75C0] =	vst v0  }
0x1b: {  	[tilespmem:$0x75D0] =	vst v0  }
0x1c: {  	[tilespmem:$0x75E0] =	vst v0  }
0x1d: {  	[tilespmem:$0x75F0] =	vst v0  }
0x1e: {  	[tilespmem:$0x7600] =	vst v0  }
0x1f: {  	[tilespmem:$0x7610] =	vst v0  }
0x20: {  	[tilespmem:$0x7620] =	vst v0  }
0x21: {  	[tilespmem:$0x7630] =	vst v0  }
0x22: {  	[tilespmem:$0x7640] =	vst v0  }
0x23: {  	[tilespmem:$0x7650] =	vst v0  }
0x24: {  	[tilespmem:$0x7660] =	vst v0  }
0x25: {  	[tilespmem:$0x7670] =	vst v0  }
0x26: {  	[tilespmem:$0x7680] =	vst v0  }
0x27: {  	[tilespmem:$0x7690] =	vst v0  }
0x28: {  	[tilespmem:$0x76A0] =	vst v0  }
0x29: {  	[tilespmem:$0x76B0] =	vst v0  }
0x2a: {  	[tilespmem:$0x76C0] =	vst v0  }
0x2b: {  	[tilespmem:$0x76D0] =	vst v0  }
0x2c: {  	[tilespmem:$0x76E0] =	vst v0  }
0x2d: {  	[tilespmem:$0x76F0] =	vst v0  }
0x2e: {  	[tilespmem:$0x7700] =	vst v0  }
0x2f: {  	[tilespmem:$0x7710] =	vst v0  }
0x30: {  	[tilespmem:$0x7720] =	vst v0  }
0x31: {  	[tilespmem:$0x7730] =	vst v0  }
0x32: {  	[tilespmem:$0x7740] =	vst v0  }
0x33: {  	[tilespmem:$0x7750] =	vst v0  }
0x34: {  	[tilespmem:$0x7760] =	vst v0  }
0x35: {  	[tilespmem:$0x7770] =	vst v0  }
0x36: {  	[tilespmem:$0x7780] =	vst v0  }
0x37: {  	[tilespmem:$0x7790] =	vst v0  }
0x38: {  	[tilespmem:$0x77A0] =	vst v0  }
0x39: {  	[spmem:s5] =	stream.linear.scatter [tilespmem:s13], [sflag:$0x2], $0x280, $0x38;
	[tilespmem:$0x7CB0] =	vst v63  }
0x3a: {  	_ =	swait.ge [sflag:s14], $0x280  }
0x3b: {  	[sflag:s14] =	ssyncset.done $0x0  }
0x3c: {  	[sflag:s14] =	ssyncadd.s32 $0xFFFFFD80  }
0x3d: {  	[spmem:s6] =	stream.linear.scatter [tilespmem:s13], [sflag:$0x2], $0x280, $0x38;
	[tilespmem:$0x7CB0] =	vst v63  }
0x3e: {  	_ =	swait.ge [sflag:s14], $0x280  }
0x3f: {  	[sflag:s14] =	ssyncset.done $0x0  }
0x40: {  	[sflag:s14] =	ssyncadd.s32 $0xFFFFFD80  }
0x41: {  	[tilespmem:s15], [sflag:$0x2] =	stream.linear.gather [hbm4b:s7+s4], $0x2710, $0x38;
	[tilespmem:$0x7CB0] =	vst v63  }
0x42: {  	_ =	swait.ge [sflag:s14], $0x2710  }
0x43: {  	[sflag:s14] =	ssyncset.done $0x0  }
0x44: {  	[sflag:s14] =	ssyncadd.s32 $0xFFFFD8F0  }
0x45: {  	[tilespmem:s4], [sflag:$0x2] =	stream.linear.gather [hbm4b:s8+s4], $0x2710, $0x38;
	[tilespmem:$0x7CB0] =	vst v63  }
0x46: {  	_ =	swait.ge [sflag:s14], $0x2710  }
0x47: {  	[sflag:s14] =	ssyncset.done $0x0  }
0x48: {  	[sflag:s14] =	ssyncadd.s32 $0xFFFFD8F0  }
0x49: {  	[tilespmem:s16], [sflag:$0x2] =	stream.linear.gather [hbm4b:s9+s4], $0x2710, $0x38;
	[tilespmem:$0x7CB0] =	vst v63  }
0x4a: {  	_ =	swait.ge [sflag:s14], $0x2710  }
0x4b: {  	[sflag:s14] =	ssyncset.done $0x0  }
0x4c: {  	[sflag:s14] =	ssyncadd.s32 $0xFFFFD8F0  }
0x4d: {  	s20 =	simm.s32 $0x0;
	s21 =	simm.s32 $0x4E20;
	[bflag:$0x0] =	sbarrier.arrive $0xFFFF  }
0x4e: {  	[spmem:s2] =	stream.indirect.scatter.add.f32 [tilespmem:s21], [sflag:$0x1], $0x1, s20, s17, $0xb8;
	[tilespmem:$0x7CB0] =	vst v63  }
0x4f: {  	s22 =	simm.s32 $0x2710;
	s20 =	simm.s32 $0x320  }
.LBB2_2:
0x50: {  	[spmem:s3] =	stream.indirect.scatter.add.f32 [tilespmem:s21], [sflag:$0x1], $0x1, s22, s17, $0xb8;
	[tilespmem:$0x7CB0] =	vst v63  }
0x51: {  	s21 =	smov.u32 s20;
	p0 =	sne.s32 s20, $0x9920  }
.Ltmp0:
0x52: {  	s20 =	sadd.s32 $0x320, s20;
	(pc) =	sbr.rel @p0 .LBB2_2-.Ltmp0, $4  }
0x53: {  	s22 =	sshra.s32 s21, $0x2  }
0x54: {  	s21 =	sadd.s32 $0x4E20, s22  }
0x55: {  	[spmem:s2] =	stream.indirect.scatter.add.f32 [tilespmem:s21], [sflag:$0x1], $0x1, s22, s17, $0xb8;
	[tilespmem:$0x7CB0] =	vst v63  }
0x56: {  	s22 =	sadd.s32 $0x2710, s22  }
0x57: {  	[spmem:s3] =	stream.indirect.scatter.add.f32 [tilespmem:s21], [sflag:$0x1], $0x1, s22, s17, $0xb8;
	[tilespmem:$0x7CB0] =	vst v63  }
0x58: {  	_ =	swait.ge [sflag:s18], $0xC8  }
0x59: {  	[sflag:s18] =	ssyncset.done $0x0  }
0x5a: {  	[sflag:s18] =	ssyncadd.s32 $0xFFFFFF38  }
0x5b: {  	_ =	swait.ge [sflag:s18], $0xC8  }
0x5c: {  	s20 =	simm.s32 $0x31;
	[sflag:s18] =	ssyncset.done $0x0  }
.LBB2_4:
0x5d: {  	p0 =	sne.s32 s20, $0x1;
	s20 =	sadd.s32 $0xFFFFFFFF, s20;
	[sflag:s18] =	ssyncadd.s32 $0xFFFFFF38  }
.Ltmp1:
0x5e: {  	_ =	swait.ge [sflag:s18], $0xC8;
	(pc) =	sbr.rel @p0 .LBB2_4-.Ltmp1, $4  }
0x5f: {  	[sflag:s18] =	ssyncset.done $0x0  }
0x60: {  	[sflag:s18] =	ssyncadd.s32 $0xFFFFFF38  }
0x61: {  	_ =	swait.ge [sflag:s18], $0xC8  }
0x62: {  	[sflag:s18] =	ssyncset.done $0x0  }
0x63: {  	[sflag:s18] =	ssyncadd.s32 $0xFFFFFF38  }
0x64: {  	[bflag:$0x0] =	sbarrier.arrive $0xFFFF  }
0x65: {  	[tilespmem:s13], [sflag:$0x2] =	stream.linear.gather [spmem:s5], $0x280, $0x38;
	[tilespmem:$0x7CB0] =	vst v63  }
0x66: {  	_ =	swait.ge [sflag:s14], $0x280  }
0x67: {  	[sflag:s14] =	ssyncset.done $0x0  }
0x68: {  	[sflag:s14] =	ssyncadd.s32 $0xFFFFFD80  }
0x69: {  	[hbm4b:s10+s4] =	stream.linear.scatter [tilespmem:s13], [sflag:$0x2], $0x280, $0x38;
	[tilespmem:$0x7CB0] =	vst v63  }
0x6a: {  	_ =	swait.ge [sflag:s14], $0x280  }
0x6b: {  	[sflag:s14] =	ssyncset.done $0x0  }
0x6c: {  	[sflag:s14] =	ssyncadd.s32 $0xFFFFFD80  }
0x6d: {  	[tilespmem:s13], [sflag:$0x2] =	stream.linear.gather [spmem:s6], $0x280, $0x38;
	[tilespmem:$0x7CB0] =	vst v63  }
0x6e: {  	s19 =	sadd.s32 $0x1, s19;
	_ =	swait.ge [sflag:s14], $0x280  }
0x6f: {  	p0 =	sne.s32 s19, s12;
	[sflag:s14] =	ssyncset.done $0x0  }
.Ltmp2:
0x70: {  	[sflag:s14] =	ssyncadd.s32 $0xFFFFFD80;
	(pc) =	sbr.rel @p0 .LBB2_1-.Ltmp2, $4  }
0x71: {  	[hbm4b:s11+s4] =	stream.linear.scatter [tilespmem:s13], [sflag:$0x2], $0x280, $0x38;
	[tilespmem:$0x7CB0] =	vst v63  }
0x72: {  	_ =	swait.ge [sflag:s14], $0x280  }
0x73: {  	[sflag:s14] =	ssyncset.done $0x0  }
0x74: {  	[sflag:s14] =	ssyncadd.s32 $0xFFFFFD80  }
0x75: {  	_ =	sfence.sel $0x180000  }
0x76: {  	[bflag:$0x0] =	sbarrier.arrive $0xFFFF  }
0x77: {  	p0 =	sne.s32 s1, $0x0;
	_ =	strace $0x90000047  }
0x78: {  	s0 =	sadd.s32 @!p0 $0x100000, s0;
	[bflag:$0x2] =	sbarrier.arrive $0xFFFF  }
0x79: {  	[sflag:s0] =	ssyncadd.tile.s32 @!p0 $0x1;
	_ =	shalt  }
.Lfunc_end2:
_tile_overlayer_lowered:
.L_overlay_start_2:
0x7a: {  	(tag) =	ssettag $0x2  }
0x7b: {  	s0 =	rddreg [dreg:$0x0];
	s2 =	stileid.u32  }
0x7c: {  	s1 =	rddreg [dreg:$0x1];
	p0 =	sne.s32 s2, $0x0  }
0x7d: {  	s3 =	rddreg [dreg:$0x2];
	[bflag:$0x3] =	sbarrier.arrive $0xFFFF;
	s2 =	simm.s32 @!p0 $0x1C02  }
0x7e: {  	[timem:s3], [sflag:s2] =	dma.local @!p0 [hbm:s0], s1  }
0x7f: {  	s0 =	simm.s32 @!p0 $0x2  }
0x80: {  	_ =	swait.ge @!p0 [sflag:s0], s1  }
0x81: {  	s1 =	ssub.s32 @!p0 $0x0, s1;
	[sflag:s0] =	ssyncset.done @!p0 $0x0  }
0x82: {  	[sflag:s0] =	ssyncadd.s32 @!p0 s1  }
0x83: {  	[bflag:$0x3] =	sbarrier.arrive $0xFFFF  }
0x84: {  	_ =	shalt  }

// kernel: kernel.9.cloned.1.call-start
scs
__scs_entry_jumppad:
0x0: {  	(pc) =	sbr.rel $0x88, $3  }
0x1: {  	(tag) =	ssettag $0x0;
	lr =	simm.s32 $0x1  }
0x2: {  	[smem:$0x3F9D] =	sst lr;
	_ =	strace $0xD0000000  }
0x3: {  	_ = 	snop  }
0x4: {  	_ = 	snop  }
0x5: {  	_ = 	snop  }
0x6: {  	_ = 	snop  }
0x7: {  	_ = 	snop  }
__scs_overlays_trampoline_lowered:
0x8: {  	[smem:$0x3FAC] =	sst s0  }
0x9: {  	[smem:$0x3FAD] =	sst s1  }
0xa: {  	[smem:$0x3FAE] =	sst s2  }
0xb: {  	[smem:$0x3FAF] =	sst s3  }
0xc: {  	[smem:$0x3FB0] =	sst s4  }
0xd: {  	[smem:$0x3FB1] =	sst s5  }
0xe: {  	[smem:$0x3FB2] =	sst s6  }
0xf: {  	[smem:$0x3FB3] =	sst s7  }
0x10: {  	[smem:$0x3FB4] =	sst s8  }
0x11: {  	[smem:$0x3FB5] =	sst s9;
	s0 =	simm.s32 @!p0 $0x0  }
0x12: {  	s1 =	sld [smem:$0x3F9B];
	s0 =	simm.s32 @p0 $0x1  }
0x13: {  	[smem:$0x3FB6] =	sst s0;
	s0 =	simm.s32 @!p1 $0x0  }
0x14: {  	s2 =	sld [smem:$0x3F9A];
	s0 =	simm.s32 @p1 $0x1  }
0x15: {  	[smem:$0x3FB7] =	sst s0;
	s0 =	simm.s32 @!p2 $0x0  }
0x16: {  	s3 =	sld [smem:$0x3FDB];
	s0 =	simm.s32 @p2 $0x1  }
0x17: {  	s4 =	simm.s32 $0x1BF5;
	[smem:$0x3FB9] =	sst s0  }
0x18: {  	s0 =	sld [smem:$0x3F9C];
	_ =	swait.ge [sflag:s4], $0x0  }
0x19: {  	s7 =	sld [smem:$0x3F9D]  }
0x1a: {  	s8 =	sadd.s32 $0xFFFFE003, lr  }
0x1b: {  	s9 =	sadd.s32 $0xFFFFFEF7, lr;
	s5 =	simm.s32 $0xFFFFFFFF;
	p2 =	slt.u32 s8, $0xFFFFF086  }
0x1c: {  	p1 =	slt.u32 s9, $0xF7A;
	s5 =	simm.s32 @!p2 $0x0  }
0x1d: {  	s5 =	simm.s32 @p1 $0x1;
	p0 =	seq.s32 s7, s2  }
0x1e: {  	s7 =	smul.u32 @!p0 $0xF7A, s2;
	p2 =	seq.s32 @!p0 s5, $0x0  }
0x1f: {  	s9 =	smul.u32 $0xF7A, s1;
	s8 =	simm.s32 @!p0 $0x1BF5;
	p2 =	por !p2, p0  }
0x20: {  	[sflag:s8] =	ssyncset.s32 @!p0 $0xFFFFF086;
	s6 =	sadd.s32 @!p0 s3, s7;
	s7 =	simm.s32 @!p0 $0x108  }
0x21: {  	s3 =	sadd.s32 s3, s9;
	s6 =	sadd.s32 @!p0 $0x88, s6;
	s7 =	simm.s32 @p2 $0x1082  }
0x22: {  	[simem:s7], [sflag:s8] =	dma.local @!p0 [hbm:s6], $0xF7A  }
0x23: {  	s9 =	sor.u32 $0xD0000000, s2;
	s6 =	simm.s32 $0x108;
	_ =	swait.ge @!p0 [sflag:s8], $0x0  }
0x24: {  	s3 =	sadd.s32 $0x88, s3;
	s6 =	simm.s32 @!p1 $0x1082;
	[sflag:s4] =	ssyncset.s32 $0xFFFFF086  }
0x25: {  	[simem:s6], [sflag:s4] =	dma.local [hbm:s3], $0xF7A  }
0x26: {  	[smem:$0x3F9D] =	sst s1;
	(tag) =	ssettag s2;
	_ =	strace s9  }
0x27: {  	s1 =	sld [smem:$0x3FAD]  }
0x28: {  	s2 =	sld [smem:$0x3FAE]  }
0x29: {  	s4 =	sld [smem:$0x3FB0]  }
0x2a: {  	p0 =	seq.s32 s5, $0x0;
	s5 =	sld [smem:$0x3FB1]  }
0x2b: {  	s6 =	sld [smem:$0x3FB2]  }
0x2c: {  	s7 =	sld [smem:$0x3FB3]  }
0x2d: {  	s3 =	simm.s32 $0x108;
	s8 =	sld [smem:$0x3FB4]  }
0x2e: {  	s3 =	simm.s32 @!p0 $0x1082;
	s9 =	sld [smem:$0x3FB5]  }
0x2f: {  	lr =	sadd.s32 s0, s3;
	s0 =	sld [smem:$0x3FAC]  }
0x30: {  	s3 =	sld [smem:$0x3FAF]  }
0x31: {  	[smem:$0x3FB8] =	sst s10  }
0x32: {  	s10 =	sld [smem:$0x3FB6];
	_ =	sdelay $0x3  }
0x33: {  	p0 =	seq.s32 s10, $0x1;
	s10 =	sld [smem:$0x3FB8];
	_ =	sdelay $0x3  }
0x34: {  	[smem:$0x3FB8] =	sst s10  }
0x35: {  	s10 =	sld [smem:$0x3FB7];
	_ =	sdelay $0x3  }
0x36: {  	p1 =	seq.s32 s10, $0x1;
	s10 =	sld [smem:$0x3FB8];
	_ =	sdelay $0x3  }
0x37: {  	[smem:$0x3FB8] =	sst s10  }
0x38: {  	s10 =	sld [smem:$0x3FB9]  }
0x39: {  	_ = 	snop;
	(pc) =	sbr.ind lr, $3  }
0x3a: {  	_ = 	snop  }
0x3b: {  	_ = 	snop  }
0x3c: {  	p2 =	seq.s32 s10, $0x1;
	s10 =	sld [smem:$0x3FB8]  }
0x3d: {  	_ =	shalt  }
0x3e: {  	_ =	shalt  }
0x3f: {  	_ =	shalt  }
0x40: {  	_ =	shalt  }
0x41: {  	_ =	shalt  }
0x42: {  	_ =	shalt  }
0x43: {  	_ =	shalt  }
0x44: {  	_ =	shalt  }
0x45: {  	_ =	shalt  }
0x46: {  	_ =	shalt  }
0x47: {  	_ =	shalt  }
0x48: {  	_ =	shalt  }
0x49: {  	_ =	shalt  }
0x4a: {  	_ =	shalt  }
0x4b: {  	_ =	shalt  }
0x4c: {  	_ =	shalt  }
0x4d: {  	_ =	shalt  }
0x4e: {  	_ =	shalt  }
0x4f: {  	_ =	shalt  }
0x50: {  	_ =	shalt  }
0x51: {  	_ =	shalt  }
0x52: {  	_ =	shalt  }
0x53: {  	_ =	shalt  }
0x54: {  	_ =	shalt  }
0x55: {  	_ =	shalt  }
0x56: {  	_ =	shalt  }
0x57: {  	_ =	shalt  }
0x58: {  	_ =	shalt  }
0x59: {  	_ =	shalt  }
0x5a: {  	_ =	shalt  }
0x5b: {  	_ =	shalt  }
0x5c: {  	_ =	shalt  }
0x5d: {  	_ =	shalt  }
0x5e: {  	_ =	shalt  }
0x5f: {  	_ =	shalt  }
0x60: {  	_ =	shalt  }
0x61: {  	_ =	shalt  }
0x62: {  	_ =	shalt  }
0x63: {  	_ =	shalt  }
0x64: {  	_ =	shalt  }
0x65: {  	_ =	shalt  }
0x66: {  	_ =	shalt  }
0x67: {  	_ =	shalt  }
0x68: {  	_ =	shalt  }
0x69: {  	_ =	shalt  }
0x6a: {  	_ =	shalt  }
0x6b: {  	_ =	shalt  }
0x6c: {  	_ =	shalt  }
0x6d: {  	_ =	shalt  }
0x6e: {  	_ =	shalt  }
0x6f: {  	_ =	shalt  }
0x70: {  	_ =	shalt  }
0x71: {  	_ =	shalt  }
0x72: {  	_ =	shalt  }
0x73: {  	_ =	shalt  }
0x74: {  	_ =	shalt  }
0x75: {  	_ =	shalt  }
0x76: {  	_ =	shalt  }
0x77: {  	_ =	shalt  }
0x78: {  	_ =	shalt  }
0x79: {  	_ =	shalt  }
0x7a: {  	_ =	shalt  }
0x7b: {  	_ =	shalt  }
0x7c: {  	_ =	shalt  }
0x7d: {  	_ =	shalt  }
0x7e: {  	_ =	shalt  }
0x7f: {  	_ =	shalt  }
0x80: {  	_ =	shalt  }
0x81: {  	_ =	shalt  }
0x82: {  	_ =	shalt  }
0x83: {  	_ =	shalt  }
0x84: {  	_ =	shalt  }
0x85: {  	_ =	shalt  }
0x86: {  	_ =	shalt  }
0x87: {  	_ =	shalt  }
.Lfunc_end0:
.L_simem_size_0:
called_computation.1_lowered:
.L_overlay_start_0:
0x88: {  	s2 =	sld [smem:$0x3FD9]  }
0x89: {  	s3 =	sld [smem:$0x3FFE];
	_ =	sdelay $0x1  }
0x8a: {  	s1 =	srdreg.scid  }
0x8b: {  	s0 =	sand.u32 $0x1, s1  }
0x8c: {  	s17 =	sshll.u32 s0, $0xA;
	s2 =	sadd.s32 s3, s2  }
0x8d: {  	s2 =	sadd.s32 s2, s17  }
0x8e: {  	[smem:$0x3FC4] =	sst s2  }
0x8f: {  	_ = 	snop  }
0x90: {  	s2 =	sld [smem:$0x3FD0];
	(tm) =	ssettm $0x1  }
0x91: {  	s18 =	sld [smem:$0x3FFB];
	_ =	sdelay $0x3  }
0x92: {  	_ =	strace s18  }
0x93: {  	s3 =	sld [smem:$0x3FFC];
	_ =	sdelay $0x3  }
0x94: {  	_ =	strace s3  }
0x95: {  	s3 =	sld [smem:$0x3FFD];
	_ =	sdelay $0x3  }
0x96: {  	_ =	strace s3  }
0x97: {  	_ =	strace $0x8FFFFFFF  }
0x98: {  	s19 =	sld [smem:$0x3FDB];
	_ =	sdelay $0x1  }
0x99: {  	s4 =	simm.s32 $_scs_section_size  }
0x9a: {  	s5 =	simm.s32 $_size__tile_overlayer_lowered;
	s6 =	simm.s32 $_tile_overlayer_lowered  }
0x9b: {  	s22 =	simm.s32 $0x1BFF;
	s21 =	sshll.u32 s6, $0x1;
	s3 =	sadd.s32 s4, s19  }
0x9c: {  	s7 =	simm.s32 $0x0;
	s20 =	sshll.u32 s5, $0x1;
	s5 =	sadd.s32 s21, s3  }
0x9d: {  	[timem:s7], [sflag:s22] =	dma.local [hbm:s5], s20  }
0x9e: {  	_ =	swait.ge [sflag:s22], s20  }
0x9f: {  	s4 =	ssub.s32 $0x0, s20;
	[sflag:s22] =	ssyncset.done $0x0  }
0xa0: {  	[sflag:s22] =	ssyncadd.s32 s4;
	_ =	sdelay $0x1  }
0xa1: {  	s23 =	simm.s32 $0x1B8B  }
0xa2: {  	_ =	swait.ge [sflag:s23], $0x1  }
0xa3: {  	[sflag:s23] =	ssyncset.done $0x0  }
0xa4: {  	s25 =	simm.s32 $0x1B8E;
	s24 =	sld [smem:$0x3FFE];
	[sflag:s23] =	ssyncadd.s32 $0xFFFFFFFF  }
0xa5: {  	s26 =	simm.s32 $execute0_lowered;
	[smem:$0x3FD2] =	sst s25  }
0xa6: {  	s5 =	sshll.u32 s26, $0x1;
	_ =	strace $0x80000049;
	[dreg:$0x1] =	wrdreg $0xFFFFFFFF  }
0xa7: {  	s28 =	simm.s32 $_size_execute0_lowered;
	s3 =	sadd.s32 s3, s5;
	[dreg:$0x0] =	wrdreg $0x0  }
0xa8: {  	s5 =	sshll.u32 s28, $0x1;
	[dreg:$0x2] =	wrdreg s3  }
0xa9: {  	[dreg:$0x3] =	wrdreg s5  }
0xaa: {  	[dreg:$0x4] =	wrdreg $0xC0  }
0xab: {  	_ =	task [dreg:s7], $0x5FFFF  }
0xac: {  	[dreg:$0x1] =	wrdreg $0xFFFFFFFF  }
0xad: {  	[dreg:$0x0] =	wrdreg $0x60  }
0xae: {  	[dreg:$0x2] =	wrdreg s2  }
0xaf: {  	[dreg:$0x3] =	wrdreg s24  }
0xb0: {  	[dreg:$0x4] =	wrdreg $0x152200  }
0xb1: {  	[dreg:$0x5] =	wrdreg $0xB2200  }
0xb2: {  	[dreg:$0x6] =	wrdreg $0x9  }
0xb3: {  	_ =	task.clear_ibuf [dreg:s7], $0x7FFFF;
	_ =	strace $0x90000049  }
0xb4: {  	s29 =	simm.s32 $0x9;
	_ =	strace $0x8000004B  }
0xb5: {  	_ =	swait.ge [sflag:s29], $0x1  }
0xb6: {  	[sflag:s29] =	ssyncadd.s32 $0xFFFFFFFF  }
0xb7: {  	_ =	strace $0x9000004B  }
0xb8: {  	_ =	sfence  }
0xb9: {  	s30 =	sld [smem:$0x0];
	_ =	sdelay $0x2  }
0xba: {  	s31 =	sshll.u32 s1, $0xD;
	s1 =	sshrl.u32 s1, $0x2  }
0xbb: {  	s3 =	sand.u32 $0x4000, s31;
	s1 =	sadd.s32 s1, s30  }
0xbc: {  	s0 =	sor.u32 s3, s0;
	s1 =	sshll.u32 s1, $0x11  }
0xbd: {  	s0 =	sor.u32 s1, s0  }
0xbe: {  	s0 =	sadd.s32 $0x8F2B, s0  }
0xbf: {  	[sflag:s0] =	ssyncadd.remote.s32 $0x1  }
0xc0: {  	_ =	sfence.sel $0xFFFF  }
0xc1: {  	[dreg:$0x0] =	wrdreg $0xFFFFFFFF;
	(pc) =	sbr.abs _section_cstart, $3  }
0xc2: {  	[dreg:$0x1] =	wrdreg $0xFFFFFFFF  }
0xc3: {  	_ =	task.clear_ibuf [dreg:s7], $0x2FFFF;
	_ =	strace $0x9FFFFFFF  }
0xc4: {  	(tm) =	ssettm $0x7FFFFFFF  }
0xc5: {  	_ =	shalt  }
tec
execute0_lowered:
.L_overlay_start_1:
0x0: {  	(tag) =	ssettag $0x1  }
0x1: {  	s7 =	rddreg [dreg:$0x0]  }
0x2: {  	s5 =	rddreg [dreg:$0x1]  }
0x3: {  	s1 =	rddreg [dreg:$0x2]  }
0x4: {  	s2 =	rddreg [dreg:$0x3]  }
0x5: {  	s3 =	srdreg.scid;
	s0 =	rddreg [dreg:$0x4];
	s4 =	simm.s32 $0x0  }
0x6: {  	s16 =	simm.s32 $0x1;
	s17 =	simm.s32 $0x8;
	s18 =	simm.s32 $0x10  }
0x7: {  	s19 =	simm.s32 $0xC8;
	s20 =	simm.s32 $0x4E20;
	s21 =	simm.s32 $0x8020  }
0x8: {  	s22 =	simm.s32 $0x2;
	s23 =	simm.s32 $0x3;
	s24 =	simm.s32 $0x4  }
0x9: {  	s25 =	simm.s32 $0x4C90;
	s26 =	simm.s32 $0x4D58;
	s28 =	simm.s32 $0x0  }
0xa: {  	s8 =	sand.u32 $0x1, s3;
	s3 =	stileid.u32;
	[smem:$0x7FF] =	sst s4  }
0xb: {  	s6 =	sshll.u32 s8, $0x4;
	s9 =	smul.u32 $0x2800, s3;
	_ =	strace $0x8000004A  }
0xc: {  	s10 =	ssub.s32 $0x2, s8;
	s31 =	smul.u32 $0xA000, s3;
	p0 =	seq.s32 s8, $0x1  }
0xd: {  	s13 =	sshll.u32 s3, $0x6;
	s6 =	sor.u32 s3, s6;
	s29 =	sshrl.u32 s10, $0x1  }
0xe: {  	s13 =	sor.u32 $0x1C05, s13;
	s11 =	smul.u32 $0x2710, s6;
	s12 =	sadd.s32 s9, s5  }
0xf: {  	s6 =	smul.u32 $0x4E2, s6;
	s5 =	sadd.s32 $0x2A000, s5;
	s9 =	ssub.s32 s10, s29  }
0x10: {  	s14 =	sadd.s32 s31, s1;
	s15 =	sadd.s32 s31, s2;
	s8 =	sadd.s32 $0x2000, s12  }
0x11: {  	s9 =	smax.u32 s9, $0x1;
	s14 =	sshrl.u32 s14, $0x3;
	s30 =	sshrl.u32 s11, $0x3  }
0x12: {  	s6 =	sadd.s32 s7, s6;
	s11 =	simm.s32 $0x53400;
	s7 =	sadd.s32 s7, s30  }
0x13: {  	s15 =	sshrl.u32 s15, $0x3;
	s11 =	simm.s32 @!p0 $0x2B400;
	s7 =	sadd.s32 $0x9C40, s7  }
0x14: {  	s10 =	sadd.s32 s11, s12;
	s11 =	simm.s32 $0x5;
	s12 =	simm.s32 $0x2710  }
.LBB2_1:
0x15: {  	[tilespmem:s4], [sflag:$0x5] =	stream.linear.gather [hbm4b:s6+s4], $0x2710, $0x38;
	[tilespmem:$0x1F220] =	vst v63  }
0x16: {  	_ =	swait.ge [sflag:s11], $0x2710  }
0x17: {  	[sflag:s11] =	ssyncset.done $0x0  }
0x18: {  	[sflag:s11] =	ssyncadd.s32 $0xFFFFD8F0  }
0x19: {  	[tilespmem:s12], [sflag:$0x5] =	stream.linear.gather [hbm4b:s7+s4], $0x2710, $0x38;
	[tilespmem:$0x1F220] =	vst v63  }
0x1a: {  	_ =	swait.ge [sflag:s11], $0x2710  }
0x1b: {  	[sflag:s11] =	ssyncset.done $0x0  }
0x1c: {  	[sflag:s11] =	ssyncadd.s32 $0xFFFFD8F0  }
0x1d: {  	[spmem:s14], [sflag:s13] =	dma.local [hbm:s5], $0x1400  }
0x1e: {  	_ =	swait.ge [sflag:s11], $0x1400  }
0x1f: {  	[sflag:s11] =	ssyncset.done $0x0  }
0x20: {  	[sflag:s11] =	ssyncadd.s32 $0xFFFFEC00  }
0x21: {  	[spmem:s15@s17], [sflag:s13] =	dma.strided [hbm:s8@s18], $0x1400, s16, $0x8   }
0x22: {  	_ =	swait.ge [sflag:s11], $0x1400  }
0x23: {  	[sflag:s11] =	ssyncset.done $0x0  }
0x24: {  	[sflag:s11] =	ssyncadd.s32 $0xFFFFEC00  }
0x25: {  	[bflag:$0x0] =	sbarrier.arrive $0xFFFF  }
0x26: {  	[tilespmem:s20], [sflag:$0x1] =	stream.indirect.gather [spmem:s2], $0x40, s4, s19, $0xb8;
	[tilespmem:$0x1F220] =	vst v63  }
0x27: {  	_ = 	snop  }
0x28: {  	[tilespmem:s21], [sflag:$0x2] =	stream.indirect.gather [spmem:s2], $0x40, s19, s19, $0xb8;
	[tilespmem:$0x1F220] =	vst v63  }
0x29: {  	_ =	swait.ge [sflag:s16], $0x3200  }
0x2a: {  	[sflag:s16] =	ssyncset.done $0x0  }
0x2b: {  	s29 =	simm.s32 $0x2710;
	[sflag:s16] =	ssyncadd.s32 $0xFFFFCE00  }
0x2c: {  	[spmem:s1] =	stream.indirect.scatter.add.f32 [tilespmem:s20], [sflag:$0x3], $0x40, s29, s19, $0xb8;
	[tilespmem:$0x1F220] =	vst v63  }
0x2d: {  	_ =	swait.ge [sflag:s22], $0x3200  }
0x2e: {  	[sflag:s22] =	ssyncset.done $0x0  }
0x2f: {  	s29 =	simm.s32 $0x27D8;
	[sflag:s22] =	ssyncadd.s32 $0xFFFFCE00  }
0x30: {  	[spmem:s1] =	stream.indirect.scatter.add.f32 [tilespmem:s21], [sflag:$0x4], $0x40, s29, s19, $0xb8;
	[tilespmem:$0x1F220] =	vst v63  }
0x31: {  	_ =	swait.ge [sflag:s23], $0x3200  }
0x32: {  	[sflag:s23] =	ssyncset.done $0x0  }
0x33: {  	s29 =	simm.s32 $0x190;
	[sflag:s23] =	ssyncadd.s32 $0xFFFFCE00  }
0x34: {  	[tilespmem:s20], [sflag:$0x1] =	stream.indirect.gather [spmem:s2], $0x40, s29, s19, $0xb8;
	[tilespmem:$0x1F220] =	vst v63  }
0x35: {  	_ =	swait.ge [sflag:s24], $0x3200  }
0x36: {  	[sflag:s24] =	ssyncset.done $0x0  }
0x37: {  	s30 =	simm.s32 $0x258;
	s29 =	simm.s32 $0x640;
	[sflag:s24] =	ssyncadd.s32 $0xFFFFCE00  }
.LBB2_2:
0x38: {  	[tilespmem:s21], [sflag:$0x2] =	stream.indirect.gather [spmem:s2], $0x40, s30, s19, $0xb8;
	[tilespmem:$0x1F220] =	vst v63  }
0x39: {  	s30 =	smov.u32 s29  }
0x3a: {  	p0 =	sne.s32 s29, $0x8FC0;
	s29 =	sadd.s32 $0x640, s29;
	_ =	swait.ge [sflag:s16], $0x3200  }
0x3b: {  	s30 =	sshra.s32 s30, $0x2;
	[sflag:s16] =	ssyncset.done $0x0  }
0x3c: {  	s31 =	sadd.s32 $0x2710, s30;
	[sflag:s16] =	ssyncadd.s32 $0xFFFFCE00  }
0x3d: {  	[spmem:s1] =	stream.indirect.scatter.add.f32 [tilespmem:s20], [sflag:$0x3], $0x40, s31, s19, $0xb8;
	[tilespmem:$0x1F220] =	vst v63  }
0x3e: {  	_ =	swait.ge [sflag:s22], $0x3200  }
0x3f: {  	[sflag:s22] =	ssyncset.done $0x0  }
0x40: {  	s31 =	sadd.s32 $0x27D8, s30;
	[sflag:s22] =	ssyncadd.s32 $0xFFFFCE00  }
0x41: {  	[spmem:s1] =	stream.indirect.scatter.add.f32 [tilespmem:s21], [sflag:$0x4], $0x40, s31, s19, $0xb8;
	[tilespmem:$0x1F220] =	vst v63  }
0x42: {  	_ =	swait.ge [sflag:s23], $0x3200  }
0x43: {  	[sflag:s23] =	ssyncset.done $0x0  }
.Ltmp0:
0x44: {  	s31 =	sadd.s32 $0x190, s30;
	[sflag:s23] =	ssyncadd.s32 $0xFFFFCE00;
	(pc) =	sbr.rel @p0 .LBB2_2-.Ltmp0, $4  }
0x45: {  	[tilespmem:s20], [sflag:$0x1] =	stream.indirect.gather [spmem:s2], $0x40, s31, s19, $0xb8;
	[tilespmem:$0x1F220] =	vst v63  }
0x46: {  	_ =	swait.ge [sflag:s24], $0x3200  }
0x47: {  	[sflag:s24] =	ssyncset.done $0x0  }
0x48: {  	s30 =	sadd.s32 $0x258, s30;
	[sflag:s24] =	ssyncadd.s32 $0xFFFFCE00  }
0x49: {  	[tilespmem:s21], [sflag:$0x2] =	stream.indirect.gather [spmem:s2], $0x40, s30, s19, $0xb8;
	[tilespmem:$0x1F220] =	vst v63  }
0x4a: {  	_ =	swait.ge [sflag:s16], $0x3200  }
0x4b: {  	[sflag:s16] =	ssyncset.done $0x0  }
0x4c: {  	[sflag:s16] =	ssyncadd.s32 $0xFFFFCE00  }
0x4d: {  	[spmem:s1] =	stream.indirect.scatter.add.f32 [tilespmem:s20], [sflag:$0x3], $0x40, s25, s19, $0xb8;
	[tilespmem:$0x1F220] =	vst v63  }
0x4e: {  	_ =	swait.ge [sflag:s22], $0x3200  }
0x4f: {  	[sflag:s22] =	ssyncset.done $0x0  }
0x50: {  	[sflag:s22] =	ssyncadd.s32 $0xFFFFCE00  }
0x51: {  	[spmem:s1] =	stream.indirect.scatter.add.f32 [tilespmem:s21], [sflag:$0x4], $0x40, s26, s19, $0xb8;
	[tilespmem:$0x1F220] =	vst v63  }
0x52: {  	_ =	swait.ge [sflag:s23], $0x3200  }
0x53: {  	[sflag:s23] =	ssyncset.done $0x0  }
0x54: {  	[sflag:s23] =	ssyncadd.s32 $0xFFFFCE00  }
0x55: {  	_ =	swait.ge [sflag:s24], $0x3200  }
0x56: {  	s28 =	sadd.s32 $0x1, s28;
	[sflag:s24] =	ssyncset.done $0x0  }
0x57: {  	p0 =	sne.s32 s28, s9;
	[sflag:s24] =	ssyncadd.s32 $0xFFFFCE00  }
.Ltmp1:
0x58: {  	[bflag:$0x0] =	sbarrier.arrive $0xFFFF;
	(pc) =	sbr.rel @p0 .LBB2_1-.Ltmp1, $4  }
0x59: {  	[hbm:s10@s18], [sflag:s13] =	dma.strided [spmem:s14@s17], $0x1400, s16, $0x8   }
0x5a: {  	_ =	swait.ge [sflag:s11], $0x1400  }
0x5b: {  	[sflag:s11] =	ssyncset.done $0x0  }
0x5c: {  	[sflag:s11] =	ssyncadd.s32 $0xFFFFEC00  }
0x5d: {  	_ =	sfence.sel $0x180000  }
0x5e: {  	[bflag:$0x0] =	sbarrier.arrive $0xFFFF  }
0x5f: {  	p0 =	sne.s32 s3, $0x0;
	_ =	strace $0x9000004A  }
0x60: {  	s0 =	sadd.s32 @!p0 $0x100000, s0;
	[bflag:$0x2] =	sbarrier.arrive $0xFFFF  }
0x61: {  	[sflag:s0] =	ssyncadd.tile.s32 @!p0 $0x1;
	_ =	shalt  }
.Lfunc_end2:
_tile_overlayer_lowered:
.L_overlay_start_2:
0x62: {  	(tag) =	ssettag $0x2  }
0x63: {  	s0 =	rddreg [dreg:$0x0];
	s2 =	stileid.u32  }
0x64: {  	s1 =	rddreg [dreg:$0x1];
	p0 =	sne.s32 s2, $0x0  }
0x65: {  	s3 =	rddreg [dreg:$0x2];
	[bflag:$0x3] =	sbarrier.arrive $0xFFFF;
	s2 =	simm.s32 @!p0 $0x1C05  }
0x66: {  	[timem:s3], [sflag:s2] =	dma.local @!p0 [hbm:s0], s1  }
0x67: {  	s0 =	simm.s32 @!p0 $0x5  }
0x68: {  	_ =	swait.ge @!p0 [sflag:s0], s1  }
0x69: {  	s1 =	ssub.s32 @!p0 $0x0, s1;
	[sflag:s0] =	ssyncset.done @!p0 $0x0  }
0x6a: {  	[sflag:s0] =	ssyncadd.s32 @!p0 s1  }
0x6b: {  	[bflag:$0x3] =	sbarrier.arrive $0xFFFF  }
0x6c: {  	_ =	shalt  }

</sc_bundles>
